<compile_context>
chip_gen: v7x
topology: tpu7x:2x2x1
jax: 0.10.2.dev20260603
libtpu: 0.0.44.dev20260713+nightly
codegen_flags: <defaults>
</compile_context>

<pallas_src>
import functools

import jax
import jax.numpy as jnp
from jax import lax
from jax.experimental import pallas as pl
from jax.experimental.pallas import tpu as pltpu
from jax.experimental.pallas import tpu_sc as plsc

B, L = 4096, 200
TEXT_DIM, AUDIO_DIM, SPKR_DIM = 128, 64, 32
VOCAB, N_SPK = 1000000, 1000

NW = 32
RW = B // NW
NG = RW // 16

_EROWS = 16384


def _eproj_body(tab_ref, w_ref, out_ref):
    out_ref[...] = lax.dot_general(
        w_ref[...], tab_ref[...],
        dimension_numbers=(((1,), (1,)), ((), ())),
        preferred_element_type=jnp.float32).reshape(_EROWS)


def _eproj(table, w_e):
    nblk = pl.cdiv(VOCAB, _EROWS)
    return pl.pallas_call(
        _eproj_body,
        grid=(nblk,),
        in_specs=[
            pl.BlockSpec((_EROWS, TEXT_DIM), lambda i: (i, 0)),
            pl.BlockSpec((1, TEXT_DIM), lambda i: (0, 0)),
        ],
        out_specs=pl.BlockSpec((_EROWS,), lambda i: (i,)),
        out_shape=jax.ShapeDtypeStruct((VOCAB,), jnp.float32),
    )(table, w_e)


_AROWS = 256


def _aacc_body(ac_ref, w_ref, b_ref, out_ref):
    w = w_ref[...][None, :, :]
    s = jnp.sum(ac_ref[...] * w, axis=(0, 1))
    out_ref[...] = s + b_ref[0, 0] * float(L)


def _aacc(acoustic_t, w_col, b2d):
    nblk = B // _AROWS
    return pl.pallas_call(
        _aacc_body,
        grid=(nblk,),
        in_specs=[
            pl.BlockSpec((L, AUDIO_DIM, _AROWS), lambda i: (0, 0, i)),
            pl.BlockSpec((AUDIO_DIM, 1), lambda i: (0, 0)),
            pl.BlockSpec((1, 1), lambda i: (0, 0)),
        ],
        out_specs=pl.BlockSpec((_AROWS,), lambda i: (i,)),
        out_shape=jax.ShapeDtypeStruct((B,), jnp.float32),
    )(acoustic_t, w_col, b2d)


def _sproj_body(tab_ref, w_ref, out_ref):
    out_ref[...] = lax.dot_general(
        w_ref[...], tab_ref[...],
        dimension_numbers=(((1,), (1,)), ((), ())),
        preferred_element_type=jnp.float32).reshape(N_SPK)


def _sproj(table, w_s):
    return pl.pallas_call(
        _sproj_body,
        in_specs=[
            pl.BlockSpec((N_SPK, SPKR_DIM), lambda: (0, 0)),
            pl.BlockSpec((1, SPKR_DIM), lambda: (0, 0)),
        ],
        out_specs=pl.BlockSpec((N_SPK,), lambda: (0,)),
        out_shape=jax.ShapeDtypeStruct((N_SPK,), jnp.float32),
    )(table, w_s)


_SCH = 10000
_NST = VOCAB // _SCH
_NCH = 2
_CW = L * RW // _NCH
_LT = L // _NCH


def _sc_body(eproj_hbm, text_hbm, spk_hbm, sproj_hbm, out_hbm,
             idx_t, idx_s, vals, svals, out_v, eproj_sh, sproj_sh, sem):
    cid = lax.axis_index("c")
    sid = lax.axis_index("s")
    wid = sid * 2 + cid

    for j in range((_NST + 15) // 16):
        c = sid + j * 16

        @pl.when(c < _NST)
        def _stage():
            off = c * _SCH
            pltpu.sync_copy(eproj_hbm.at[pl.ds(off, _SCH)],
                            vals.at[pl.ds(0, _SCH)])
            pltpu.sync_copy(vals.at[pl.ds(0, _SCH)],
                            eproj_sh.at[pl.ds(off, _SCH)])

    @pl.when(sid == 15)
    def _stage_s():
        pltpu.sync_copy(sproj_hbm, svals.at[pl.ds(0, N_SPK)])
        pltpu.sync_copy(svals.at[pl.ds(0, N_SPK)], sproj_sh)

    plsc.subcore_barrier()

    accs = tuple(jnp.zeros((16,), jnp.float32) for _ in range(NG))
    for ch in range(_NCH):
        pltpu.sync_copy(text_hbm.at[wid, ch], idx_t)
        pltpu.sync_copy(spk_hbm.at[wid, ch], idx_s)
        ec = pltpu.async_copy(eproj_sh.at[idx_t], vals, sem)
        sc = pltpu.async_copy(sproj_sh.at[idx_s], svals, sem)
        ec.wait()
        sc.wait()

        def body(t, accs):
            new = []
            for k in range(NG):
                sl = pl.ds(t * RW + k * 16, 16)
                new.append(accs[k] + vals[sl] + svals[sl])
            return tuple(new)

        accs = lax.fori_loop(0, _LT, body, accs)

    for k in range(NG):
        out_v[pl.ds(k * 16, 16)] = accs[k]

    pltpu.sync_copy(out_v, out_hbm.at[pl.ds(wid * RW, RW)])


@functools.partial(
    pl.kernel,
    out_type=jax.ShapeDtypeStruct((B,), jnp.float32),
    mesh=plsc.VectorSubcoreMesh(core_axis_name="c", subcore_axis_name="s"),
    scratch_types=[
        pltpu.VMEM((_CW,), jnp.int32),
        pltpu.VMEM((_CW,), jnp.int32),
        pltpu.VMEM((_CW,), jnp.float32),
        pltpu.VMEM((_CW,), jnp.float32),
        pltpu.VMEM((RW,), jnp.float32),
        pltpu.VMEM_SHARED((VOCAB,), jnp.float32),
        pltpu.VMEM_SHARED((N_SPK,), jnp.float32),
        pltpu.SemaphoreType.DMA,
    ],
)
def _sc_combine(eproj_hbm, text_hbm, spk_hbm, sproj_hbm, out_hbm,
                idx_t, idx_s, vals, svals, out_v, eproj_sh, sproj_sh, sem):
    _sc_body(eproj_hbm, text_hbm, spk_hbm, sproj_hbm, out_hbm,
             idx_t, idx_s, vals, svals, out_v, eproj_sh, sproj_sh, sem)


def _final_body(s_ref, a_ref, out_ref):
    x = (s_ref[...] + a_ref[...]) * (1.0 / float(L))
    out_ref[...] = 1.0 / (1.0 + jnp.exp(-x))


def _final(sums, aacc):
    return pl.pallas_call(
        _final_body,
        in_specs=[
            pl.BlockSpec((B,), lambda: (0,)),
            pl.BlockSpec((B,), lambda: (0,)),
        ],
        out_specs=pl.BlockSpec((B,), lambda: (0,)),
        out_shape=jax.ShapeDtypeStruct((B,), jnp.float32),
    )(sums, aacc)


def kernel(acoustic_input, text_input, speaker_input, embedding_table,
           speaker_table, W, b):
    w_a = W[:, :AUDIO_DIM]
    w_e = W[:, AUDIO_DIM:AUDIO_DIM + TEXT_DIM]
    w_s = W[:, AUDIO_DIM + TEXT_DIM:]

    eproj = _eproj(embedding_table, w_e)
    sproj = _sproj(speaker_table, w_s)

    acoustic_t = jnp.transpose(acoustic_input, (1, 2, 0))
    aacc = _aacc(acoustic_t, w_a.reshape(AUDIO_DIM, 1), b.reshape(1, 1))

    text_t = text_input.T.reshape(L, NW, RW).transpose(1, 0, 2).reshape(NW, _NCH, _CW)
    spk_t = speaker_input.T.reshape(L, NW, RW).transpose(1, 0, 2).reshape(NW, _NCH, _CW)

    sums = _sc_combine(eproj, text_t, spk_t, sproj)
    return _final(sums, aacc)

# --- scband reference (transcript-rebuilt; emitter-appended) ---
"""Pipeline reference for scband-lrbaseline-12206297055513 (READ-ONLY COPY).

The authoritative reference and input builder live on the scoring server;
editing this copy changes nothing except your own understanding.
"""

import jax, jax.numpy as jnp
import numpy as np

B, L = 4096, 200
TEXT_DIM, AUDIO_DIM, SPKR_DIM = 128, 64, 32
VOCAB, N_SPK = 1000000, 1000


def setup_inputs(seed: int = 0) -> dict:
    key = jax.random.key(seed)
    ks = jax.random.split(key, 8)
    acoustic_input = jax.random.normal(ks[0], (B, L, AUDIO_DIM), dtype=jnp.float32)
    text_input = jax.random.randint(ks[1], (B, L), 0, VOCAB, dtype=jnp.int64 if jax.config.jax_enable_x64 else jnp.int32)
    speaker_input = jax.random.randint(ks[2], (B, L), 0, N_SPK, dtype=jnp.int64 if jax.config.jax_enable_x64 else jnp.int32)
    embedding_table = jax.random.normal(ks[3], (VOCAB, TEXT_DIM), dtype=jnp.float32) * 0.02
    embedding_table = embedding_table.at[0].set(0.0)  # padding_idx=0 row initialized to zero
    speaker_table = jax.random.normal(ks[4], (N_SPK, SPKR_DIM), dtype=jnp.float32) * 0.02
    in_dim = TEXT_DIM + AUDIO_DIM + SPKR_DIM
    W = jax.random.normal(ks[5], (1, in_dim), dtype=jnp.float32) * (1.0 / np.sqrt(in_dim))
    b = jnp.zeros((1,), dtype=jnp.float32)
    return {
        "acoustic_input": acoustic_input,
        "text_input": text_input,
        "speaker_input": speaker_input,
        "embedding_table": embedding_table,
        "speaker_table": speaker_table,
        "W": W,
        "b": b,
    }


def reference(acoustic_input, text_input, speaker_input, embedding_table, speaker_table, W, b):
    # embedding lookups (gather)
    embs = jnp.take(embedding_table, text_input, axis=0)          # [B, L, TEXT_DIM]
    spk_embs = jnp.take(speaker_table, speaker_input, axis=0)    # [B, L, SPKR_DIM]
    # cat along feature dim (dim=2), permute(0,2,1)
    inputs = jnp.concatenate((acoustic_input, embs, spk_embs), axis=2)  # [B, L, D]
    inputs = jnp.transpose(inputs, (0, 2, 1))                    # [B, D, L]
    # avg_pool1d over full length + squeeze -> mean over last axis
    pooled = jnp.mean(inputs, axis=2)                            # [B, D]
    outputs = jax.nn.sigmoid(pooled @ W.T + b)                   # [B, 1]
    return jnp.squeeze(outputs, axis=1)                          # [B]

if __name__ == "__main__":
    import jax
    _d = setup_inputs()
    print(jax.jit(kernel)(*tuple(_d.values())))

</pallas_src>

<mosaic_0001>
#map = affine_map<(d0, d1) -> (0)>
#map1 = affine_map<(d0, d1) -> (0, 0, 0)>
module attributes {stable_mosaic.version = 14 : i64} {
  func.func @_sc_combine(%arg0: i32, %arg1: i32, %arg2: memref<1000000xf32, #tpu.memory_space<hbm>>, %arg3: memref<32x2x12800xi32, #tpu.memory_space<hbm>>, %arg4: memref<32x2x12800xi32, #tpu.memory_space<hbm>>, %arg5: memref<1000xf32, #tpu.memory_space<hbm>>, %arg6: memref<4096xf32, #tpu.memory_space<hbm>>, %arg7: memref<12800xi32, #tpu.memory_space<vmem>>, %arg8: memref<12800xi32, #tpu.memory_space<vmem>>, %arg9: memref<12800xf32, #tpu.memory_space<vmem>>, %arg10: memref<12800xf32, #tpu.memory_space<vmem>>, %arg11: memref<128xf32, #tpu.memory_space<vmem>>, %arg12: memref<1000000xf32, #tpu.memory_space<vmem_shared>>, %arg13: memref<1000xf32, #tpu.memory_space<vmem_shared>>, %arg14: memref<!tpu.dma_semaphore, #tpu.memory_space<semaphore_mem>>) attributes {dimension_semantics = [#tpu.dimension_semantics<core_parallel>, #tpu.dimension_semantics<subcore_parallel>], iteration_bounds = array<i64: 2, 16>, scalar_prefetch = 0 : i64, scratch_operands = 8 : i64, tpu.core_type = #tpu.core_type<sc_vector_subcore>, window_params = [{transform_indices = #map}, {transform_indices = #map1}, {transform_indices = #map1}, {transform_indices = #map}, {transform_indices = #map}]} {
    %mul3A = arith.constant 2 : i32
    %mul3A_0 = arith.muli %arg1, %mul3A : i32
    %add3A = arith.addi %mul3A_0, %arg0 : i32
    %add3A_1 = arith.constant 0 : i32
    %add3A_2 = arith.addi %arg1, %add3A_1 : i32
    %lt3A = arith.constant 100 : i32
    %lt3A_3 = arith.cmpi slt, %add3A_2, %lt3A : i32
    %convert_element_type3A = arith.extui %lt3A_3 : i1 to i32
    %cond3A = arith.constant 0 : i32
    %cond3A_4 = arith.cmpi ne, %convert_element_type3A, %cond3A : i32
    scf.if %cond3A_4 {
      %mul3A_127 = arith.constant 10000 : i32
      %mul3A_128 = arith.muli %add3A_2, %mul3A_127 : i32
      "tpu.region"() ({
        %run_scoped3A_129 = tpu.sem_alloc : memref<!tpu.dma_semaphore, #tpu.memory_space<semaphore_mem>>
        %dma_start3A_130 = arith.constant 0 : i32
        %dma_start3A_131 = tpu.memref_slice %arg9[%dma_start3A_130] : memref<12800xf32, #tpu.memory_space<vmem>> -> memref<10000xf32, #tpu.memory_space<vmem>>
        %dma_start3A_132 = tpu.memref_slice %arg2[%mul3A_128] : memref<1000000xf32, #tpu.memory_space<hbm>> -> memref<10000xf32, #tpu.memory_space<hbm>>
        %dma_start3A_133 = arith.constant 0 : i32
        %dma_start3A_134 = tpu.memref_slice %arg9[%dma_start3A_133] : memref<12800xf32, #tpu.memory_space<vmem>> -> memref<10000xf32, #tpu.memory_space<vmem>>
        %dma_start3A_135 = tpu.memref_slice %arg2[%mul3A_128] : memref<1000000xf32, #tpu.memory_space<hbm>> -> memref<10000xf32, #tpu.memory_space<hbm>>
        tpu.enqueue_dma source(%dma_start3A_135 : memref<10000xf32, #tpu.memory_space<hbm>>) target(%dma_start3A_134 : memref<10000xf32, #tpu.memory_space<vmem>>) target_semaphore(%run_scoped3A_129 : memref<!tpu.dma_semaphore, #tpu.memory_space<semaphore_mem>>)
        %dma_wait3A_136 = arith.constant 0 : i32
        %dma_wait3A_137 = tpu.memref_slice %arg9[%dma_wait3A_136] : memref<12800xf32, #tpu.memory_space<vmem>> -> memref<10000xf32, #tpu.memory_space<vmem>>
        %dma_wait3A_138 = tpu.memref_slice %arg2[%mul3A_128] : memref<1000000xf32, #tpu.memory_space<hbm>> -> memref<10000xf32, #tpu.memory_space<hbm>>
        %dma_wait3A_139 = arith.constant 0 : i32
        %dma_wait3A_140 = tpu.memref_slice %arg9[%dma_wait3A_139] : memref<12800xf32, #tpu.memory_space<vmem>> -> memref<10000xf32, #tpu.memory_space<vmem>>
        %dma_wait3A_141 = tpu.memref_slice %arg2[%mul3A_128] : memref<1000000xf32, #tpu.memory_space<hbm>> -> memref<10000xf32, #tpu.memory_space<hbm>>
        tpu.wait_dma2 semaphore(%run_scoped3A_129 : memref<!tpu.dma_semaphore, #tpu.memory_space<semaphore_mem>>) src(%dma_wait3A_141 : memref<10000xf32, #tpu.memory_space<hbm>>) dst(%dma_wait3A_140 : memref<10000xf32, #tpu.memory_space<vmem>>)
        tpu.yield
      }) : () -> ()
      "tpu.region"() ({
        %run_scoped3A_129 = tpu.sem_alloc : memref<!tpu.dma_semaphore, #tpu.memory_space<semaphore_mem>>
        %dma_start3A_130 = arith.constant 0 : i32
        %dma_start3A_131 = tpu.memref_slice %arg9[%dma_start3A_130] : memref<12800xf32, #tpu.memory_space<vmem>> -> memref<10000xf32, #tpu.memory_space<vmem>>
        %dma_start3A_132 = tpu.memref_slice %arg12[%mul3A_128] : memref<1000000xf32, #tpu.memory_space<vmem_shared>> -> memref<10000xf32, #tpu.memory_space<vmem_shared>>
        %dma_start3A_133 = tpu.memref_slice %arg12[%mul3A_128] : memref<1000000xf32, #tpu.memory_space<vmem_shared>> -> memref<10000xf32, #tpu.memory_space<vmem_shared>>
        %dma_start3A_134 = arith.constant 0 : i32
        %dma_start3A_135 = tpu.memref_slice %arg9[%dma_start3A_134] : memref<12800xf32, #tpu.memory_space<vmem>> -> memref<10000xf32, #tpu.memory_space<vmem>>
        tpu.enqueue_dma source(%dma_start3A_135 : memref<10000xf32, #tpu.memory_space<vmem>>) target(%dma_start3A_133 : memref<10000xf32, #tpu.memory_space<vmem_shared>>) target_semaphore(%run_scoped3A_129 : memref<!tpu.dma_semaphore, #tpu.memory_space<semaphore_mem>>)
        %dma_wait3A_136 = arith.constant 0 : i32
        %dma_wait3A_137 = tpu.memref_slice %arg9[%dma_wait3A_136] : memref<12800xf32, #tpu.memory_space<vmem>> -> memref<10000xf32, #tpu.memory_space<vmem>>
        %dma_wait3A_138 = tpu.memref_slice %arg12[%mul3A_128] : memref<1000000xf32, #tpu.memory_space<vmem_shared>> -> memref<10000xf32, #tpu.memory_space<vmem_shared>>
        %dma_wait3A_139 = tpu.memref_slice %arg12[%mul3A_128] : memref<1000000xf32, #tpu.memory_space<vmem_shared>> -> memref<10000xf32, #tpu.memory_space<vmem_shared>>
        %dma_wait3A_140 = arith.constant 0 : i32
        %dma_wait3A_141 = tpu.memref_slice %arg9[%dma_wait3A_140] : memref<12800xf32, #tpu.memory_space<vmem>> -> memref<10000xf32, #tpu.memory_space<vmem>>
        tpu.wait_dma2 semaphore(%run_scoped3A_129 : memref<!tpu.dma_semaphore, #tpu.memory_space<semaphore_mem>>) src(%dma_wait3A_141 : memref<10000xf32, #tpu.memory_space<vmem>>) dst(%dma_wait3A_139 : memref<10000xf32, #tpu.memory_space<vmem_shared>>)
        tpu.yield
      }) : () -> ()
    } else {
    }
    %add3A_5 = arith.constant 16 : i32
    %add3A_6 = arith.addi %arg1, %add3A_5 : i32
    %lt3A_7 = arith.constant 100 : i32
    %lt3A_8 = arith.cmpi slt, %add3A_6, %lt3A_7 : i32
    %convert_element_type3A_9 = arith.extui %lt3A_8 : i1 to i32
    %cond3A_10 = arith.constant 0 : i32
    %cond3A_11 = arith.cmpi ne, %convert_element_type3A_9, %cond3A_10 : i32
    scf.if %cond3A_11 {
      %mul3A_127 = arith.constant 10000 : i32
      %mul3A_128 = arith.muli %add3A_6, %mul3A_127 : i32
      "tpu.region"() ({
        %run_scoped3A_129 = tpu.sem_alloc : memref<!tpu.dma_semaphore, #tpu.memory_space<semaphore_mem>>
        %dma_start3A_130 = arith.constant 0 : i32
        %dma_start3A_131 = tpu.memref_slice %arg9[%dma_start3A_130] : memref<12800xf32, #tpu.memory_space<vmem>> -> memref<10000xf32, #tpu.memory_space<vmem>>
        %dma_start3A_132 = tpu.memref_slice %arg2[%mul3A_128] : memref<1000000xf32, #tpu.memory_space<hbm>> -> memref<10000xf32, #tpu.memory_space<hbm>>
        %dma_start3A_133 = arith.constant 0 : i32
        %dma_start3A_134 = tpu.memref_slice %arg9[%dma_start3A_133] : memref<12800xf32, #tpu.memory_space<vmem>> -> memref<10000xf32, #tpu.memory_space<vmem>>
        %dma_start3A_135 = tpu.memref_slice %arg2[%mul3A_128] : memref<1000000xf32, #tpu.memory_space<hbm>> -> memref<10000xf32, #tpu.memory_space<hbm>>
        tpu.enqueue_dma source(%dma_start3A_135 : memref<10000xf32, #tpu.memory_space<hbm>>) target(%dma_start3A_134 : memref<10000xf32, #tpu.memory_space<vmem>>) target_semaphore(%run_scoped3A_129 : memref<!tpu.dma_semaphore, #tpu.memory_space<semaphore_mem>>)
        %dma_wait3A_136 = arith.constant 0 : i32
        %dma_wait3A_137 = tpu.memref_slice %arg9[%dma_wait3A_136] : memref<12800xf32, #tpu.memory_space<vmem>> -> memref<10000xf32, #tpu.memory_space<vmem>>
        %dma_wait3A_138 = tpu.memref_slice %arg2[%mul3A_128] : memref<1000000xf32, #tpu.memory_space<hbm>> -> memref<10000xf32, #tpu.memory_space<hbm>>
        %dma_wait3A_139 = arith.constant 0 : i32
        %dma_wait3A_140 = tpu.memref_slice %arg9[%dma_wait3A_139] : memref<12800xf32, #tpu.memory_space<vmem>> -> memref<10000xf32, #tpu.memory_space<vmem>>
        %dma_wait3A_141 = tpu.memref_slice %arg2[%mul3A_128] : memref<1000000xf32, #tpu.memory_space<hbm>> -> memref<10000xf32, #tpu.memory_space<hbm>>
        tpu.wait_dma2 semaphore(%run_scoped3A_129 : memref<!tpu.dma_semaphore, #tpu.memory_space<semaphore_mem>>) src(%dma_wait3A_141 : memref<10000xf32, #tpu.memory_space<hbm>>) dst(%dma_wait3A_140 : memref<10000xf32, #tpu.memory_space<vmem>>)
        tpu.yield
      }) : () -> ()
      "tpu.region"() ({
        %run_scoped3A_129 = tpu.sem_alloc : memref<!tpu.dma_semaphore, #tpu.memory_space<semaphore_mem>>
        %dma_start3A_130 = arith.constant 0 : i32
        %dma_start3A_131 = tpu.memref_slice %arg9[%dma_start3A_130] : memref<12800xf32, #tpu.memory_space<vmem>> -> memref<10000xf32, #tpu.memory_space<vmem>>
        %dma_start3A_132 = tpu.memref_slice %arg12[%mul3A_128] : memref<1000000xf32, #tpu.memory_space<vmem_shared>> -> memref<10000xf32, #tpu.memory_space<vmem_shared>>
        %dma_start3A_133 = tpu.memref_slice %arg12[%mul3A_128] : memref<1000000xf32, #tpu.memory_space<vmem_shared>> -> memref<10000xf32, #tpu.memory_space<vmem_shared>>
        %dma_start3A_134 = arith.constant 0 : i32
        %dma_start3A_135 = tpu.memref_slice %arg9[%dma_start3A_134] : memref<12800xf32, #tpu.memory_space<vmem>> -> memref<10000xf32, #tpu.memory_space<vmem>>
        tpu.enqueue_dma source(%dma_start3A_135 : memref<10000xf32, #tpu.memory_space<vmem>>) target(%dma_start3A_133 : memref<10000xf32, #tpu.memory_space<vmem_shared>>) target_semaphore(%run_scoped3A_129 : memref<!tpu.dma_semaphore, #tpu.memory_space<semaphore_mem>>)
        %dma_wait3A_136 = arith.constant 0 : i32
        %dma_wait3A_137 = tpu.memref_slice %arg9[%dma_wait3A_136] : memref<12800xf32, #tpu.memory_space<vmem>> -> memref<10000xf32, #tpu.memory_space<vmem>>
        %dma_wait3A_138 = tpu.memref_slice %arg12[%mul3A_128] : memref<1000000xf32, #tpu.memory_space<vmem_shared>> -> memref<10000xf32, #tpu.memory_space<vmem_shared>>
        %dma_wait3A_139 = tpu.memref_slice %arg12[%mul3A_128] : memref<1000000xf32, #tpu.memory_space<vmem_shared>> -> memref<10000xf32, #tpu.memory_space<vmem_shared>>
        %dma_wait3A_140 = arith.constant 0 : i32
        %dma_wait3A_141 = tpu.memref_slice %arg9[%dma_wait3A_140] : memref<12800xf32, #tpu.memory_space<vmem>> -> memref<10000xf32, #tpu.memory_space<vmem>>
        tpu.wait_dma2 semaphore(%run_scoped3A_129 : memref<!tpu.dma_semaphore, #tpu.memory_space<semaphore_mem>>) src(%dma_wait3A_141 : memref<10000xf32, #tpu.memory_space<vmem>>) dst(%dma_wait3A_139 : memref<10000xf32, #tpu.memory_space<vmem_shared>>)
        tpu.yield
      }) : () -> ()
    } else {
    }
    %add3A_12 = arith.constant 32 : i32
    %add3A_13 = arith.addi %arg1, %add3A_12 : i32
    %lt3A_14 = arith.constant 100 : i32
    %lt3A_15 = arith.cmpi slt, %add3A_13, %lt3A_14 : i32
    %convert_element_type3A_16 = arith.extui %lt3A_15 : i1 to i32
    %cond3A_17 = arith.constant 0 : i32
    %cond3A_18 = arith.cmpi ne, %convert_element_type3A_16, %cond3A_17 : i32
    scf.if %cond3A_18 {
      %mul3A_127 = arith.constant 10000 : i32
      %mul3A_128 = arith.muli %add3A_13, %mul3A_127 : i32
      "tpu.region"() ({
        %run_scoped3A_129 = tpu.sem_alloc : memref<!tpu.dma_semaphore, #tpu.memory_space<semaphore_mem>>
        %dma_start3A_130 = arith.constant 0 : i32
        %dma_start3A_131 = tpu.memref_slice %arg9[%dma_start3A_130] : memref<12800xf32, #tpu.memory_space<vmem>> -> memref<10000xf32, #tpu.memory_space<vmem>>
        %dma_start3A_132 = tpu.memref_slice %arg2[%mul3A_128] : memref<1000000xf32, #tpu.memory_space<hbm>> -> memref<10000xf32, #tpu.memory_space<hbm>>
        %dma_start3A_133 = arith.constant 0 : i32
        %dma_start3A_134 = tpu.memref_slice %arg9[%dma_start3A_133] : memref<12800xf32, #tpu.memory_space<vmem>> -> memref<10000xf32, #tpu.memory_space<vmem>>
        %dma_start3A_135 = tpu.memref_slice %arg2[%mul3A_128] : memref<1000000xf32, #tpu.memory_space<hbm>> -> memref<10000xf32, #tpu.memory_space<hbm>>
        tpu.enqueue_dma source(%dma_start3A_135 : memref<10000xf32, #tpu.memory_space<hbm>>) target(%dma_start3A_134 : memref<10000xf32, #tpu.memory_space<vmem>>) target_semaphore(%run_scoped3A_129 : memref<!tpu.dma_semaphore, #tpu.memory_space<semaphore_mem>>)
        %dma_wait3A_136 = arith.constant 0 : i32
        %dma_wait3A_137 = tpu.memref_slice %arg9[%dma_wait3A_136] : memref<12800xf32, #tpu.memory_space<vmem>> -> memref<10000xf32, #tpu.memory_space<vmem>>
        %dma_wait3A_138 = tpu.memref_slice %arg2[%mul3A_128] : memref<1000000xf32, #tpu.memory_space<hbm>> -> memref<10000xf32, #tpu.memory_space<hbm>>
        %dma_wait3A_139 = arith.constant 0 : i32
        %dma_wait3A_140 = tpu.memref_slice %arg9[%dma_wait3A_139] : memref<12800xf32, #tpu.memory_space<vmem>> -> memref<10000xf32, #tpu.memory_space<vmem>>
        %dma_wait3A_141 = tpu.memref_slice %arg2[%mul3A_128] : memref<1000000xf32, #tpu.memory_space<hbm>> -> memref<10000xf32, #tpu.memory_space<hbm>>
        tpu.wait_dma2 semaphore(%run_scoped3A_129 : memref<!tpu.dma_semaphore, #tpu.memory_space<semaphore_mem>>) src(%dma_wait3A_141 : memref<10000xf32, #tpu.memory_space<hbm>>) dst(%dma_wait3A_140 : memref<10000xf32, #tpu.memory_space<vmem>>)
        tpu.yield
      }) : () -> ()
      "tpu.region"() ({
        %run_scoped3A_129 = tpu.sem_alloc : memref<!tpu.dma_semaphore, #tpu.memory_space<semaphore_mem>>
        %dma_start3A_130 = arith.constant 0 : i32
        %dma_start3A_131 = tpu.memref_slice %arg9[%dma_start3A_130] : memref<12800xf32, #tpu.memory_space<vmem>> -> memref<10000xf32, #tpu.memory_space<vmem>>
        %dma_start3A_132 = tpu.memref_slice %arg12[%mul3A_128] : memref<1000000xf32, #tpu.memory_space<vmem_shared>> -> memref<10000xf32, #tpu.memory_space<vmem_shared>>
        %dma_start3A_133 = tpu.memref_slice %arg12[%mul3A_128] : memref<1000000xf32, #tpu.memory_space<vmem_shared>> -> memref<10000xf32, #tpu.memory_space<vmem_shared>>
        %dma_start3A_134 = arith.constant 0 : i32
        %dma_start3A_135 = tpu.memref_slice %arg9[%dma_start3A_134] : memref<12800xf32, #tpu.memory_space<vmem>> -> memref<10000xf32, #tpu.memory_space<vmem>>
        tpu.enqueue_dma source(%dma_start3A_135 : memref<10000xf32, #tpu.memory_space<vmem>>) target(%dma_start3A_133 : memref<10000xf32, #tpu.memory_space<vmem_shared>>) target_semaphore(%run_scoped3A_129 : memref<!tpu.dma_semaphore, #tpu.memory_space<semaphore_mem>>)
        %dma_wait3A_136 = arith.constant 0 : i32
        %dma_wait3A_137 = tpu.memref_slice %arg9[%dma_wait3A_136] : memref<12800xf32, #tpu.memory_space<vmem>> -> memref<10000xf32, #tpu.memory_space<vmem>>
        %dma_wait3A_138 = tpu.memref_slice %arg12[%mul3A_128] : memref<1000000xf32, #tpu.memory_space<vmem_shared>> -> memref<10000xf32, #tpu.memory_space<vmem_shared>>
        %dma_wait3A_139 = tpu.memref_slice %arg12[%mul3A_128] : memref<1000000xf32, #tpu.memory_space<vmem_shared>> -> memref<10000xf32, #tpu.memory_space<vmem_shared>>
        %dma_wait3A_140 = arith.constant 0 : i32
        %dma_wait3A_141 = tpu.memref_slice %arg9[%dma_wait3A_140] : memref<12800xf32, #tpu.memory_space<vmem>> -> memref<10000xf32, #tpu.memory_space<vmem>>
        tpu.wait_dma2 semaphore(%run_scoped3A_129 : memref<!tpu.dma_semaphore, #tpu.memory_space<semaphore_mem>>) src(%dma_wait3A_141 : memref<10000xf32, #tpu.memory_space<vmem>>) dst(%dma_wait3A_139 : memref<10000xf32, #tpu.memory_space<vmem_shared>>)
        tpu.yield
      }) : () -> ()
    } else {
    }
    %add3A_19 = arith.constant 48 : i32
    %add3A_20 = arith.addi %arg1, %add3A_19 : i32
    %lt3A_21 = arith.constant 100 : i32
    %lt3A_22 = arith.cmpi slt, %add3A_20, %lt3A_21 : i32
    %convert_element_type3A_23 = arith.extui %lt3A_22 : i1 to i32
    %cond3A_24 = arith.constant 0 : i32
    %cond3A_25 = arith.cmpi ne, %convert_element_type3A_23, %cond3A_24 : i32
    scf.if %cond3A_25 {
      %mul3A_127 = arith.constant 10000 : i32
      %mul3A_128 = arith.muli %add3A_20, %mul3A_127 : i32
      "tpu.region"() ({
        %run_scoped3A_129 = tpu.sem_alloc : memref<!tpu.dma_semaphore, #tpu.memory_space<semaphore_mem>>
        %dma_start3A_130 = arith.constant 0 : i32
        %dma_start3A_131 = tpu.memref_slice %arg9[%dma_start3A_130] : memref<12800xf32, #tpu.memory_space<vmem>> -> memref<10000xf32, #tpu.memory_space<vmem>>
        %dma_start3A_132 = tpu.memref_slice %arg2[%mul3A_128] : memref<1000000xf32, #tpu.memory_space<hbm>> -> memref<10000xf32, #tpu.memory_space<hbm>>
        %dma_start3A_133 = arith.constant 0 : i32
        %dma_start3A_134 = tpu.memref_slice %arg9[%dma_start3A_133] : memref<12800xf32, #tpu.memory_space<vmem>> -> memref<10000xf32, #tpu.memory_space<vmem>>
        %dma_start3A_135 = tpu.memref_slice %arg2[%mul3A_128] : memref<1000000xf32, #tpu.memory_space<hbm>> -> memref<10000xf32, #tpu.memory_space<hbm>>
        tpu.enqueue_dma source(%dma_start3A_135 : memref<10000xf32, #tpu.memory_space<hbm>>) target(%dma_start3A_134 : memref<10000xf32, #tpu.memory_space<vmem>>) target_semaphore(%run_scoped3A_129 : memref<!tpu.dma_semaphore, #tpu.memory_space<semaphore_mem>>)
        %dma_wait3A_136 = arith.constant 0 : i32
        %dma_wait3A_137 = tpu.memref_slice %arg9[%dma_wait3A_136] : memref<12800xf32, #tpu.memory_space<vmem>> -> memref<10000xf32, #tpu.memory_space<vmem>>
        %dma_wait3A_138 = tpu.memref_slice %arg2[%mul3A_128] : memref<1000000xf32, #tpu.memory_space<hbm>> -> memref<10000xf32, #tpu.memory_space<hbm>>
        %dma_wait3A_139 = arith.constant 0 : i32
        %dma_wait3A_140 = tpu.memref_slice %arg9[%dma_wait3A_139] : memref<12800xf32, #tpu.memory_space<vmem>> -> memref<10000xf32, #tpu.memory_space<vmem>>
        %dma_wait3A_141 = tpu.memref_slice %arg2[%mul3A_128] : memref<1000000xf32, #tpu.memory_space<hbm>> -> memref<10000xf32, #tpu.memory_space<hbm>>
        tpu.wait_dma2 semaphore(%run_scoped3A_129 : memref<!tpu.dma_semaphore, #tpu.memory_space<semaphore_mem>>) src(%dma_wait3A_141 : memref<10000xf32, #tpu.memory_space<hbm>>) dst(%dma_wait3A_140 : memref<10000xf32, #tpu.memory_space<vmem>>)
        tpu.yield
      }) : () -> ()
      "tpu.region"() ({
        %run_scoped3A_129 = tpu.sem_alloc : memref<!tpu.dma_semaphore, #tpu.memory_space<semaphore_mem>>
        %dma_start3A_130 = arith.constant 0 : i32
        %dma_start3A_131 = tpu.memref_slice %arg9[%dma_start3A_130] : memref<12800xf32, #tpu.memory_space<vmem>> -> memref<10000xf32, #tpu.memory_space<vmem>>
        %dma_start3A_132 = tpu.memref_slice %arg12[%mul3A_128] : memref<1000000xf32, #tpu.memory_space<vmem_shared>> -> memref<10000xf32, #tpu.memory_space<vmem_shared>>
        %dma_start3A_133 = tpu.memref_slice %arg12[%mul3A_128] : memref<1000000xf32, #tpu.memory_space<vmem_shared>> -> memref<10000xf32, #tpu.memory_space<vmem_shared>>
        %dma_start3A_134 = arith.constant 0 : i32
        %dma_start3A_135 = tpu.memref_slice %arg9[%dma_start3A_134] : memref<12800xf32, #tpu.memory_space<vmem>> -> memref<10000xf32, #tpu.memory_space<vmem>>
        tpu.enqueue_dma source(%dma_start3A_135 : memref<10000xf32, #tpu.memory_space<vmem>>) target(%dma_start3A_133 : memref<10000xf32, #tpu.memory_space<vmem_shared>>) target_semaphore(%run_scoped3A_129 : memref<!tpu.dma_semaphore, #tpu.memory_space<semaphore_mem>>)
        %dma_wait3A_136 = arith.constant 0 : i32
        %dma_wait3A_137 = tpu.memref_slice %arg9[%dma_wait3A_136] : memref<12800xf32, #tpu.memory_space<vmem>> -> memref<10000xf32, #tpu.memory_space<vmem>>
        %dma_wait3A_138 = tpu.memref_slice %arg12[%mul3A_128] : memref<1000000xf32, #tpu.memory_space<vmem_shared>> -> memref<10000xf32, #tpu.memory_space<vmem_shared>>
        %dma_wait3A_139 = tpu.memref_slice %arg12[%mul3A_128] : memref<1000000xf32, #tpu.memory_space<vmem_shared>> -> memref<10000xf32, #tpu.memory_space<vmem_shared>>
        %dma_wait3A_140 = arith.constant 0 : i32
        %dma_wait3A_141 = tpu.memref_slice %arg9[%dma_wait3A_140] : memref<12800xf32, #tpu.memory_space<vmem>> -> memref<10000xf32, #tpu.memory_space<vmem>>
        tpu.wait_dma2 semaphore(%run_scoped3A_129 : memref<!tpu.dma_semaphore, #tpu.memory_space<semaphore_mem>>) src(%dma_wait3A_141 : memref<10000xf32, #tpu.memory_space<vmem>>) dst(%dma_wait3A_139 : memref<10000xf32, #tpu.memory_space<vmem_shared>>)
        tpu.yield
      }) : () -> ()
    } else {
    }
    %add3A_26 = arith.constant 64 : i32
    %add3A_27 = arith.addi %arg1, %add3A_26 : i32
    %lt3A_28 = arith.constant 100 : i32
    %lt3A_29 = arith.cmpi slt, %add3A_27, %lt3A_28 : i32
    %convert_element_type3A_30 = arith.extui %lt3A_29 : i1 to i32
    %cond3A_31 = arith.constant 0 : i32
    %cond3A_32 = arith.cmpi ne, %convert_element_type3A_30, %cond3A_31 : i32
    scf.if %cond3A_32 {
      %mul3A_127 = arith.constant 10000 : i32
      %mul3A_128 = arith.muli %add3A_27, %mul3A_127 : i32
      "tpu.region"() ({
        %run_scoped3A_129 = tpu.sem_alloc : memref<!tpu.dma_semaphore, #tpu.memory_space<semaphore_mem>>
        %dma_start3A_130 = arith.constant 0 : i32
        %dma_start3A_131 = tpu.memref_slice %arg9[%dma_start3A_130] : memref<12800xf32, #tpu.memory_space<vmem>> -> memref<10000xf32, #tpu.memory_space<vmem>>
        %dma_start3A_132 = tpu.memref_slice %arg2[%mul3A_128] : memref<1000000xf32, #tpu.memory_space<hbm>> -> memref<10000xf32, #tpu.memory_space<hbm>>
        %dma_start3A_133 = arith.constant 0 : i32
        %dma_start3A_134 = tpu.memref_slice %arg9[%dma_start3A_133] : memref<12800xf32, #tpu.memory_space<vmem>> -> memref<10000xf32, #tpu.memory_space<vmem>>
        %dma_start3A_135 = tpu.memref_slice %arg2[%mul3A_128] : memref<1000000xf32, #tpu.memory_space<hbm>> -> memref<10000xf32, #tpu.memory_space<hbm>>
        tpu.enqueue_dma source(%dma_start3A_135 : memref<10000xf32, #tpu.memory_space<hbm>>) target(%dma_start3A_134 : memref<10000xf32, #tpu.memory_space<vmem>>) target_semaphore(%run_scoped3A_129 : memref<!tpu.dma_semaphore, #tpu.memory_space<semaphore_mem>>)
        %dma_wait3A_136 = arith.constant 0 : i32
        %dma_wait3A_137 = tpu.memref_slice %arg9[%dma_wait3A_136] : memref<12800xf32, #tpu.memory_space<vmem>> -> memref<10000xf32, #tpu.memory_space<vmem>>
        %dma_wait3A_138 = tpu.memref_slice %arg2[%mul3A_128] : memref<1000000xf32, #tpu.memory_space<hbm>> -> memref<10000xf32, #tpu.memory_space<hbm>>
        %dma_wait3A_139 = arith.constant 0 : i32
        %dma_wait3A_140 = tpu.memref_slice %arg9[%dma_wait3A_139] : memref<12800xf32, #tpu.memory_space<vmem>> -> memref<10000xf32, #tpu.memory_space<vmem>>
        %dma_wait3A_141 = tpu.memref_slice %arg2[%mul3A_128] : memref<1000000xf32, #tpu.memory_space<hbm>> -> memref<10000xf32, #tpu.memory_space<hbm>>
        tpu.wait_dma2 semaphore(%run_scoped3A_129 : memref<!tpu.dma_semaphore, #tpu.memory_space<semaphore_mem>>) src(%dma_wait3A_141 : memref<10000xf32, #tpu.memory_space<hbm>>) dst(%dma_wait3A_140 : memref<10000xf32, #tpu.memory_space<vmem>>)
        tpu.yield
      }) : () -> ()
      "tpu.region"() ({
        %run_scoped3A_129 = tpu.sem_alloc : memref<!tpu.dma_semaphore, #tpu.memory_space<semaphore_mem>>
        %dma_start3A_130 = arith.constant 0 : i32
        %dma_start3A_131 = tpu.memref_slice %arg9[%dma_start3A_130] : memref<12800xf32, #tpu.memory_space<vmem>> -> memref<10000xf32, #tpu.memory_space<vmem>>
        %dma_start3A_132 = tpu.memref_slice %arg12[%mul3A_128] : memref<1000000xf32, #tpu.memory_space<vmem_shared>> -> memref<10000xf32, #tpu.memory_space<vmem_shared>>
        %dma_start3A_133 = tpu.memref_slice %arg12[%mul3A_128] : memref<1000000xf32, #tpu.memory_space<vmem_shared>> -> memref<10000xf32, #tpu.memory_space<vmem_shared>>
        %dma_start3A_134 = arith.constant 0 : i32
        %dma_start3A_135 = tpu.memref_slice %arg9[%dma_start3A_134] : memref<12800xf32, #tpu.memory_space<vmem>> -> memref<10000xf32, #tpu.memory_space<vmem>>
        tpu.enqueue_dma source(%dma_start3A_135 : memref<10000xf32, #tpu.memory_space<vmem>>) target(%dma_start3A_133 : memref<10000xf32, #tpu.memory_space<vmem_shared>>) target_semaphore(%run_scoped3A_129 : memref<!tpu.dma_semaphore, #tpu.memory_space<semaphore_mem>>)
        %dma_wait3A_136 = arith.constant 0 : i32
        %dma_wait3A_137 = tpu.memref_slice %arg9[%dma_wait3A_136] : memref<12800xf32, #tpu.memory_space<vmem>> -> memref<10000xf32, #tpu.memory_space<vmem>>
        %dma_wait3A_138 = tpu.memref_slice %arg12[%mul3A_128] : memref<1000000xf32, #tpu.memory_space<vmem_shared>> -> memref<10000xf32, #tpu.memory_space<vmem_shared>>
        %dma_wait3A_139 = tpu.memref_slice %arg12[%mul3A_128] : memref<1000000xf32, #tpu.memory_space<vmem_shared>> -> memref<10000xf32, #tpu.memory_space<vmem_shared>>
        %dma_wait3A_140 = arith.constant 0 : i32
        %dma_wait3A_141 = tpu.memref_slice %arg9[%dma_wait3A_140] : memref<12800xf32, #tpu.memory_space<vmem>> -> memref<10000xf32, #tpu.memory_space<vmem>>
        tpu.wait_dma2 semaphore(%run_scoped3A_129 : memref<!tpu.dma_semaphore, #tpu.memory_space<semaphore_mem>>) src(%dma_wait3A_141 : memref<10000xf32, #tpu.memory_space<vmem>>) dst(%dma_wait3A_139 : memref<10000xf32, #tpu.memory_space<vmem_shared>>)
        tpu.yield
      }) : () -> ()
    } else {
    }
    %add3A_33 = arith.constant 80 : i32
    %add3A_34 = arith.addi %arg1, %add3A_33 : i32
    %lt3A_35 = arith.constant 100 : i32
    %lt3A_36 = arith.cmpi slt, %add3A_34, %lt3A_35 : i32
    %convert_element_type3A_37 = arith.extui %lt3A_36 : i1 to i32
    %cond3A_38 = arith.constant 0 : i32
    %cond3A_39 = arith.cmpi ne, %convert_element_type3A_37, %cond3A_38 : i32
    scf.if %cond3A_39 {
      %mul3A_127 = arith.constant 10000 : i32
      %mul3A_128 = arith.muli %add3A_34, %mul3A_127 : i32
      "tpu.region"() ({
        %run_scoped3A_129 = tpu.sem_alloc : memref<!tpu.dma_semaphore, #tpu.memory_space<semaphore_mem>>
        %dma_start3A_130 = arith.constant 0 : i32
        %dma_start3A_131 = tpu.memref_slice %arg9[%dma_start3A_130] : memref<12800xf32, #tpu.memory_space<vmem>> -> memref<10000xf32, #tpu.memory_space<vmem>>
        %dma_start3A_132 = tpu.memref_slice %arg2[%mul3A_128] : memref<1000000xf32, #tpu.memory_space<hbm>> -> memref<10000xf32, #tpu.memory_space<hbm>>
        %dma_start3A_133 = arith.constant 0 : i32
        %dma_start3A_134 = tpu.memref_slice %arg9[%dma_start3A_133] : memref<12800xf32, #tpu.memory_space<vmem>> -> memref<10000xf32, #tpu.memory_space<vmem>>
        %dma_start3A_135 = tpu.memref_slice %arg2[%mul3A_128] : memref<1000000xf32, #tpu.memory_space<hbm>> -> memref<10000xf32, #tpu.memory_space<hbm>>
        tpu.enqueue_dma source(%dma_start3A_135 : memref<10000xf32, #tpu.memory_space<hbm>>) target(%dma_start3A_134 : memref<10000xf32, #tpu.memory_space<vmem>>) target_semaphore(%run_scoped3A_129 : memref<!tpu.dma_semaphore, #tpu.memory_space<semaphore_mem>>)
        %dma_wait3A_136 = arith.constant 0 : i32
        %dma_wait3A_137 = tpu.memref_slice %arg9[%dma_wait3A_136] : memref<12800xf32, #tpu.memory_space<vmem>> -> memref<10000xf32, #tpu.memory_space<vmem>>
        %dma_wait3A_138 = tpu.memref_slice %arg2[%mul3A_128] : memref<1000000xf32, #tpu.memory_space<hbm>> -> memref<10000xf32, #tpu.memory_space<hbm>>
        %dma_wait3A_139 = arith.constant 0 : i32
        %dma_wait3A_140 = tpu.memref_slice %arg9[%dma_wait3A_139] : memref<12800xf32, #tpu.memory_space<vmem>> -> memref<10000xf32, #tpu.memory_space<vmem>>
        %dma_wait3A_141 = tpu.memref_slice %arg2[%mul3A_128] : memref<1000000xf32, #tpu.memory_space<hbm>> -> memref<10000xf32, #tpu.memory_space<hbm>>
        tpu.wait_dma2 semaphore(%run_scoped3A_129 : memref<!tpu.dma_semaphore, #tpu.memory_space<semaphore_mem>>) src(%dma_wait3A_141 : memref<10000xf32, #tpu.memory_space<hbm>>) dst(%dma_wait3A_140 : memref<10000xf32, #tpu.memory_space<vmem>>)
        tpu.yield
      }) : () -> ()
      "tpu.region"() ({
        %run_scoped3A_129 = tpu.sem_alloc : memref<!tpu.dma_semaphore, #tpu.memory_space<semaphore_mem>>
        %dma_start3A_130 = arith.constant 0 : i32
        %dma_start3A_131 = tpu.memref_slice %arg9[%dma_start3A_130] : memref<12800xf32, #tpu.memory_space<vmem>> -> memref<10000xf32, #tpu.memory_space<vmem>>
        %dma_start3A_132 = tpu.memref_slice %arg12[%mul3A_128] : memref<1000000xf32, #tpu.memory_space<vmem_shared>> -> memref<10000xf32, #tpu.memory_space<vmem_shared>>
        %dma_start3A_133 = tpu.memref_slice %arg12[%mul3A_128] : memref<1000000xf32, #tpu.memory_space<vmem_shared>> -> memref<10000xf32, #tpu.memory_space<vmem_shared>>
        %dma_start3A_134 = arith.constant 0 : i32
        %dma_start3A_135 = tpu.memref_slice %arg9[%dma_start3A_134] : memref<12800xf32, #tpu.memory_space<vmem>> -> memref<10000xf32, #tpu.memory_space<vmem>>
        tpu.enqueue_dma source(%dma_start3A_135 : memref<10000xf32, #tpu.memory_space<vmem>>) target(%dma_start3A_133 : memref<10000xf32, #tpu.memory_space<vmem_shared>>) target_semaphore(%run_scoped3A_129 : memref<!tpu.dma_semaphore, #tpu.memory_space<semaphore_mem>>)
        %dma_wait3A_136 = arith.constant 0 : i32
        %dma_wait3A_137 = tpu.memref_slice %arg9[%dma_wait3A_136] : memref<12800xf32, #tpu.memory_space<vmem>> -> memref<10000xf32, #tpu.memory_space<vmem>>
        %dma_wait3A_138 = tpu.memref_slice %arg12[%mul3A_128] : memref<1000000xf32, #tpu.memory_space<vmem_shared>> -> memref<10000xf32, #tpu.memory_space<vmem_shared>>
        %dma_wait3A_139 = tpu.memref_slice %arg12[%mul3A_128] : memref<1000000xf32, #tpu.memory_space<vmem_shared>> -> memref<10000xf32, #tpu.memory_space<vmem_shared>>
        %dma_wait3A_140 = arith.constant 0 : i32
        %dma_wait3A_141 = tpu.memref_slice %arg9[%dma_wait3A_140] : memref<12800xf32, #tpu.memory_space<vmem>> -> memref<10000xf32, #tpu.memory_space<vmem>>
        tpu.wait_dma2 semaphore(%run_scoped3A_129 : memref<!tpu.dma_semaphore, #tpu.memory_space<semaphore_mem>>) src(%dma_wait3A_141 : memref<10000xf32, #tpu.memory_space<vmem>>) dst(%dma_wait3A_139 : memref<10000xf32, #tpu.memory_space<vmem_shared>>)
        tpu.yield
      }) : () -> ()
    } else {
    }
    %add3A_40 = arith.constant 96 : i32
    %add3A_41 = arith.addi %arg1, %add3A_40 : i32
    %lt3A_42 = arith.constant 100 : i32
    %lt3A_43 = arith.cmpi slt, %add3A_41, %lt3A_42 : i32
    %convert_element_type3A_44 = arith.extui %lt3A_43 : i1 to i32
    %cond3A_45 = arith.constant 0 : i32
    %cond3A_46 = arith.cmpi ne, %convert_element_type3A_44, %cond3A_45 : i32
    scf.if %cond3A_46 {
      %mul3A_127 = arith.constant 10000 : i32
      %mul3A_128 = arith.muli %add3A_41, %mul3A_127 : i32
      "tpu.region"() ({
        %run_scoped3A_129 = tpu.sem_alloc : memref<!tpu.dma_semaphore, #tpu.memory_space<semaphore_mem>>
        %dma_start3A_130 = arith.constant 0 : i32
        %dma_start3A_131 = tpu.memref_slice %arg9[%dma_start3A_130] : memref<12800xf32, #tpu.memory_space<vmem>> -> memref<10000xf32, #tpu.memory_space<vmem>>
        %dma_start3A_132 = tpu.memref_slice %arg2[%mul3A_128] : memref<1000000xf32, #tpu.memory_space<hbm>> -> memref<10000xf32, #tpu.memory_space<hbm>>
        %dma_start3A_133 = arith.constant 0 : i32
        %dma_start3A_134 = tpu.memref_slice %arg9[%dma_start3A_133] : memref<12800xf32, #tpu.memory_space<vmem>> -> memref<10000xf32, #tpu.memory_space<vmem>>
        %dma_start3A_135 = tpu.memref_slice %arg2[%mul3A_128] : memref<1000000xf32, #tpu.memory_space<hbm>> -> memref<10000xf32, #tpu.memory_space<hbm>>
        tpu.enqueue_dma source(%dma_start3A_135 : memref<10000xf32, #tpu.memory_space<hbm>>) target(%dma_start3A_134 : memref<10000xf32, #tpu.memory_space<vmem>>) target_semaphore(%run_scoped3A_129 : memref<!tpu.dma_semaphore, #tpu.memory_space<semaphore_mem>>)
        %dma_wait3A_136 = arith.constant 0 : i32
        %dma_wait3A_137 = tpu.memref_slice %arg9[%dma_wait3A_136] : memref<12800xf32, #tpu.memory_space<vmem>> -> memref<10000xf32, #tpu.memory_space<vmem>>
        %dma_wait3A_138 = tpu.memref_slice %arg2[%mul3A_128] : memref<1000000xf32, #tpu.memory_space<hbm>> -> memref<10000xf32, #tpu.memory_space<hbm>>
        %dma_wait3A_139 = arith.constant 0 : i32
        %dma_wait3A_140 = tpu.memref_slice %arg9[%dma_wait3A_139] : memref<12800xf32, #tpu.memory_space<vmem>> -> memref<10000xf32, #tpu.memory_space<vmem>>
        %dma_wait3A_141 = tpu.memref_slice %arg2[%mul3A_128] : memref<1000000xf32, #tpu.memory_space<hbm>> -> memref<10000xf32, #tpu.memory_space<hbm>>
        tpu.wait_dma2 semaphore(%run_scoped3A_129 : memref<!tpu.dma_semaphore, #tpu.memory_space<semaphore_mem>>) src(%dma_wait3A_141 : memref<10000xf32, #tpu.memory_space<hbm>>) dst(%dma_wait3A_140 : memref<10000xf32, #tpu.memory_space<vmem>>)
        tpu.yield
      }) : () -> ()
      "tpu.region"() ({
        %run_scoped3A_129 = tpu.sem_alloc : memref<!tpu.dma_semaphore, #tpu.memory_space<semaphore_mem>>
        %dma_start3A_130 = arith.constant 0 : i32
        %dma_start3A_131 = tpu.memref_slice %arg9[%dma_start3A_130] : memref<12800xf32, #tpu.memory_space<vmem>> -> memref<10000xf32, #tpu.memory_space<vmem>>
        %dma_start3A_132 = tpu.memref_slice %arg12[%mul3A_128] : memref<1000000xf32, #tpu.memory_space<vmem_shared>> -> memref<10000xf32, #tpu.memory_space<vmem_shared>>
        %dma_start3A_133 = tpu.memref_slice %arg12[%mul3A_128] : memref<1000000xf32, #tpu.memory_space<vmem_shared>> -> memref<10000xf32, #tpu.memory_space<vmem_shared>>
        %dma_start3A_134 = arith.constant 0 : i32
        %dma_start3A_135 = tpu.memref_slice %arg9[%dma_start3A_134] : memref<12800xf32, #tpu.memory_space<vmem>> -> memref<10000xf32, #tpu.memory_space<vmem>>
        tpu.enqueue_dma source(%dma_start3A_135 : memref<10000xf32, #tpu.memory_space<vmem>>) target(%dma_start3A_133 : memref<10000xf32, #tpu.memory_space<vmem_shared>>) target_semaphore(%run_scoped3A_129 : memref<!tpu.dma_semaphore, #tpu.memory_space<semaphore_mem>>)
        %dma_wait3A_136 = arith.constant 0 : i32
        %dma_wait3A_137 = tpu.memref_slice %arg9[%dma_wait3A_136] : memref<12800xf32, #tpu.memory_space<vmem>> -> memref<10000xf32, #tpu.memory_space<vmem>>
        %dma_wait3A_138 = tpu.memref_slice %arg12[%mul3A_128] : memref<1000000xf32, #tpu.memory_space<vmem_shared>> -> memref<10000xf32, #tpu.memory_space<vmem_shared>>
        %dma_wait3A_139 = tpu.memref_slice %arg12[%mul3A_128] : memref<1000000xf32, #tpu.memory_space<vmem_shared>> -> memref<10000xf32, #tpu.memory_space<vmem_shared>>
        %dma_wait3A_140 = arith.constant 0 : i32
        %dma_wait3A_141 = tpu.memref_slice %arg9[%dma_wait3A_140] : memref<12800xf32, #tpu.memory_space<vmem>> -> memref<10000xf32, #tpu.memory_space<vmem>>
        tpu.wait_dma2 semaphore(%run_scoped3A_129 : memref<!tpu.dma_semaphore, #tpu.memory_space<semaphore_mem>>) src(%dma_wait3A_141 : memref<10000xf32, #tpu.memory_space<vmem>>) dst(%dma_wait3A_139 : memref<10000xf32, #tpu.memory_space<vmem_shared>>)
        tpu.yield
      }) : () -> ()
    } else {
    }
    %eq3A = arith.constant 15 : i32
    %eq3A_47 = arith.cmpi eq, %arg1, %eq3A : i32
    %convert_element_type3A_48 = arith.extui %eq3A_47 : i1 to i32
    %cond3A_49 = arith.constant 0 : i32
    %cond3A_50 = arith.cmpi ne, %convert_element_type3A_48, %cond3A_49 : i32
    scf.if %cond3A_50 {
      "tpu.region"() ({
        %run_scoped3A_127 = tpu.sem_alloc : memref<!tpu.dma_semaphore, #tpu.memory_space<semaphore_mem>>
        %dma_start3A_128 = arith.constant 0 : i32
        %dma_start3A_129 = tpu.memref_slice %arg10[%dma_start3A_128] : memref<12800xf32, #tpu.memory_space<vmem>> -> memref<1000xf32, #tpu.memory_space<vmem>>
        %dma_start3A_130 = arith.constant 0 : i32
        %dma_start3A_131 = tpu.memref_slice %arg10[%dma_start3A_130] : memref<12800xf32, #tpu.memory_space<vmem>> -> memref<1000xf32, #tpu.memory_space<vmem>>
        tpu.enqueue_dma source(%arg5 : memref<1000xf32, #tpu.memory_space<hbm>>) target(%dma_start3A_131 : memref<1000xf32, #tpu.memory_space<vmem>>) target_semaphore(%run_scoped3A_127 : memref<!tpu.dma_semaphore, #tpu.memory_space<semaphore_mem>>)
        %dma_wait3A_132 = arith.constant 0 : i32
        %dma_wait3A_133 = tpu.memref_slice %arg10[%dma_wait3A_132] : memref<12800xf32, #tpu.memory_space<vmem>> -> memref<1000xf32, #tpu.memory_space<vmem>>
        %dma_wait3A_134 = arith.constant 0 : i32
        %dma_wait3A_135 = tpu.memref_slice %arg10[%dma_wait3A_134] : memref<12800xf32, #tpu.memory_space<vmem>> -> memref<1000xf32, #tpu.memory_space<vmem>>
        tpu.wait_dma2 semaphore(%run_scoped3A_127 : memref<!tpu.dma_semaphore, #tpu.memory_space<semaphore_mem>>) src(%arg5 : memref<1000xf32, #tpu.memory_space<hbm>>) dst(%dma_wait3A_135 : memref<1000xf32, #tpu.memory_space<vmem>>)
        tpu.yield
      }) : () -> ()
      "tpu.region"() ({
        %run_scoped3A_127 = tpu.sem_alloc : memref<!tpu.dma_semaphore, #tpu.memory_space<semaphore_mem>>
        %dma_start3A_128 = arith.constant 0 : i32
        %dma_start3A_129 = tpu.memref_slice %arg10[%dma_start3A_128] : memref<12800xf32, #tpu.memory_space<vmem>> -> memref<1000xf32, #tpu.memory_space<vmem>>
        %dma_start3A_130 = arith.constant 0 : i32
        %dma_start3A_131 = tpu.memref_slice %arg10[%dma_start3A_130] : memref<12800xf32, #tpu.memory_space<vmem>> -> memref<1000xf32, #tpu.memory_space<vmem>>
        tpu.enqueue_dma source(%dma_start3A_131 : memref<1000xf32, #tpu.memory_space<vmem>>) target(%arg13 : memref<1000xf32, #tpu.memory_space<vmem_shared>>) target_semaphore(%run_scoped3A_127 : memref<!tpu.dma_semaphore, #tpu.memory_space<semaphore_mem>>)
        %dma_wait3A_132 = arith.constant 0 : i32
        %dma_wait3A_133 = tpu.memref_slice %arg10[%dma_wait3A_132] : memref<12800xf32, #tpu.memory_space<vmem>> -> memref<1000xf32, #tpu.memory_space<vmem>>
        %dma_wait3A_134 = arith.constant 0 : i32
        %dma_wait3A_135 = tpu.memref_slice %arg10[%dma_wait3A_134] : memref<12800xf32, #tpu.memory_space<vmem>> -> memref<1000xf32, #tpu.memory_space<vmem>>
        tpu.wait_dma2 semaphore(%run_scoped3A_127 : memref<!tpu.dma_semaphore, #tpu.memory_space<semaphore_mem>>) src(%dma_wait3A_135 : memref<1000xf32, #tpu.memory_space<vmem>>) dst(%arg13 : memref<1000xf32, #tpu.memory_space<vmem_shared>>)
        tpu.yield
      }) : () -> ()
    } else {
    }
    %barrier3A = arith.constant 0 : index
    tpu.barrier barrier_id(%barrier3A)
    %broadcast_in_dim3A = arith.constant 0.000000e+00 : f32
    %broadcast_in_dim3A_51 = vector.broadcast %broadcast_in_dim3A : f32 to vector<16xf32>
    %broadcast_in_dim3A_52 = arith.constant 0.000000e+00 : f32
    %broadcast_in_dim3A_53 = vector.broadcast %broadcast_in_dim3A_52 : f32 to vector<16xf32>
    %broadcast_in_dim3A_54 = arith.constant 0.000000e+00 : f32
    %broadcast_in_dim3A_55 = vector.broadcast %broadcast_in_dim3A_54 : f32 to vector<16xf32>
    %broadcast_in_dim3A_56 = arith.constant 0.000000e+00 : f32
    %broadcast_in_dim3A_57 = vector.broadcast %broadcast_in_dim3A_56 : f32 to vector<16xf32>
    %broadcast_in_dim3A_58 = arith.constant 0.000000e+00 : f32
    %broadcast_in_dim3A_59 = vector.broadcast %broadcast_in_dim3A_58 : f32 to vector<16xf32>
    %broadcast_in_dim3A_60 = arith.constant 0.000000e+00 : f32
    %broadcast_in_dim3A_61 = vector.broadcast %broadcast_in_dim3A_60 : f32 to vector<16xf32>
    %broadcast_in_dim3A_62 = arith.constant 0.000000e+00 : f32
    %broadcast_in_dim3A_63 = vector.broadcast %broadcast_in_dim3A_62 : f32 to vector<16xf32>
    %broadcast_in_dim3A_64 = arith.constant 0.000000e+00 : f32
    %broadcast_in_dim3A_65 = vector.broadcast %broadcast_in_dim3A_64 : f32 to vector<16xf32>
    %run_scoped3A = arith.constant 0 : i32
    "tpu.region"() ({
      %run_scoped3A_127 = tpu.sem_alloc : memref<!tpu.dma_semaphore, #tpu.memory_space<semaphore_mem>>
      %dma_start3A_128 = arith.constant 0 : i32
      %dma_start3A_129 = tpu.memref_slice %arg3[%add3A, %run_scoped3A, %dma_start3A_128] : memref<32x2x12800xi32, #tpu.memory_space<hbm>> -> memref<1x1x12800xi32, #tpu.memory_space<hbm>>
      %dma_start3A_130 = tpu.memref_squeeze %dma_start3A_129 : memref<1x1x12800xi32, #tpu.memory_space<hbm>> -> memref<12800xi32, #tpu.memory_space<hbm>>
      %dma_start3A_131 = arith.constant 0 : i32
      %dma_start3A_132 = tpu.memref_slice %arg3[%add3A, %run_scoped3A, %dma_start3A_131] : memref<32x2x12800xi32, #tpu.memory_space<hbm>> -> memref<1x1x12800xi32, #tpu.memory_space<hbm>>
      %dma_start3A_133 = tpu.memref_squeeze %dma_start3A_132 : memref<1x1x12800xi32, #tpu.memory_space<hbm>> -> memref<12800xi32, #tpu.memory_space<hbm>>
      tpu.enqueue_dma source(%dma_start3A_133 : memref<12800xi32, #tpu.memory_space<hbm>>) target(%arg7 : memref<12800xi32, #tpu.memory_space<vmem>>) target_semaphore(%run_scoped3A_127 : memref<!tpu.dma_semaphore, #tpu.memory_space<semaphore_mem>>)
      %dma_wait3A_134 = arith.constant 0 : i32
      %dma_wait3A_135 = tpu.memref_slice %arg3[%add3A, %run_scoped3A, %dma_wait3A_134] : memref<32x2x12800xi32, #tpu.memory_space<hbm>> -> memref<1x1x12800xi32, #tpu.memory_space<hbm>>
      %dma_wait3A_136 = tpu.memref_squeeze %dma_wait3A_135 : memref<1x1x12800xi32, #tpu.memory_space<hbm>> -> memref<12800xi32, #tpu.memory_space<hbm>>
      %dma_wait3A_137 = arith.constant 0 : i32
      %dma_wait3A_138 = tpu.memref_slice %arg3[%add3A, %run_scoped3A, %dma_wait3A_137] : memref<32x2x12800xi32, #tpu.memory_space<hbm>> -> memref<1x1x12800xi32, #tpu.memory_space<hbm>>
      %dma_wait3A_139 = tpu.memref_squeeze %dma_wait3A_138 : memref<1x1x12800xi32, #tpu.memory_space<hbm>> -> memref<12800xi32, #tpu.memory_space<hbm>>
      tpu.wait_dma2 semaphore(%run_scoped3A_127 : memref<!tpu.dma_semaphore, #tpu.memory_space<semaphore_mem>>) src(%dma_wait3A_139 : memref<12800xi32, #tpu.memory_space<hbm>>) dst(%arg7 : memref<12800xi32, #tpu.memory_space<vmem>>)
      tpu.yield
    }) : () -> ()
    %run_scoped3A_66 = arith.constant 0 : i32
    "tpu.region"() ({
      %run_scoped3A_127 = tpu.sem_alloc : memref<!tpu.dma_semaphore, #tpu.memory_space<semaphore_mem>>
      %dma_start3A_128 = arith.constant 0 : i32
      %dma_start3A_129 = tpu.memref_slice %arg4[%add3A, %run_scoped3A_66, %dma_start3A_128] : memref<32x2x12800xi32, #tpu.memory_space<hbm>> -> memref<1x1x12800xi32, #tpu.memory_space<hbm>>
      %dma_start3A_130 = tpu.memref_squeeze %dma_start3A_129 : memref<1x1x12800xi32, #tpu.memory_space<hbm>> -> memref<12800xi32, #tpu.memory_space<hbm>>
      %dma_start3A_131 = arith.constant 0 : i32
      %dma_start3A_132 = tpu.memref_slice %arg4[%add3A, %run_scoped3A_66, %dma_start3A_131] : memref<32x2x12800xi32, #tpu.memory_space<hbm>> -> memref<1x1x12800xi32, #tpu.memory_space<hbm>>
      %dma_start3A_133 = tpu.memref_squeeze %dma_start3A_132 : memref<1x1x12800xi32, #tpu.memory_space<hbm>> -> memref<12800xi32, #tpu.memory_space<hbm>>
      tpu.enqueue_dma source(%dma_start3A_133 : memref<12800xi32, #tpu.memory_space<hbm>>) target(%arg8 : memref<12800xi32, #tpu.memory_space<vmem>>) target_semaphore(%run_scoped3A_127 : memref<!tpu.dma_semaphore, #tpu.memory_space<semaphore_mem>>)
      %dma_wait3A_134 = arith.constant 0 : i32
      %dma_wait3A_135 = tpu.memref_slice %arg4[%add3A, %run_scoped3A_66, %dma_wait3A_134] : memref<32x2x12800xi32, #tpu.memory_space<hbm>> -> memref<1x1x12800xi32, #tpu.memory_space<hbm>>
      %dma_wait3A_136 = tpu.memref_squeeze %dma_wait3A_135 : memref<1x1x12800xi32, #tpu.memory_space<hbm>> -> memref<12800xi32, #tpu.memory_space<hbm>>
      %dma_wait3A_137 = arith.constant 0 : i32
      %dma_wait3A_138 = tpu.memref_slice %arg4[%add3A, %run_scoped3A_66, %dma_wait3A_137] : memref<32x2x12800xi32, #tpu.memory_space<hbm>> -> memref<1x1x12800xi32, #tpu.memory_space<hbm>>
      %dma_wait3A_139 = tpu.memref_squeeze %dma_wait3A_138 : memref<1x1x12800xi32, #tpu.memory_space<hbm>> -> memref<12800xi32, #tpu.memory_space<hbm>>
      tpu.wait_dma2 semaphore(%run_scoped3A_127 : memref<!tpu.dma_semaphore, #tpu.memory_space<semaphore_mem>>) src(%dma_wait3A_139 : memref<12800xi32, #tpu.memory_space<hbm>>) dst(%arg8 : memref<12800xi32, #tpu.memory_space<vmem>>)
      tpu.yield
    }) : () -> ()
    %dma_start3A = arith.constant 0 : i32
    %dma_start3A_67 = tpu.memref_slice %arg12[%dma_start3A] : memref<1000000xf32, #tpu.memory_space<vmem_shared>> -> memref<1000000xf32, #tpu.memory_space<vmem_shared>>
    tpu.enqueue_indirect_dma source(%dma_start3A_67 : memref<1000000xf32, #tpu.memory_space<vmem_shared>>) target(%arg9 : memref<12800xf32, #tpu.memory_space<vmem>>) offsets(%arg7 : memref<12800xi32, #tpu.memory_space<vmem>>) semaphore(%arg14 : memref<!tpu.dma_semaphore, #tpu.memory_space<semaphore_mem>>)
    %dma_start3A_68 = arith.constant 0 : i32
    %dma_start3A_69 = tpu.memref_slice %arg13[%dma_start3A_68] : memref<1000xf32, #tpu.memory_space<vmem_shared>> -> memref<1000xf32, #tpu.memory_space<vmem_shared>>
    tpu.enqueue_indirect_dma source(%dma_start3A_69 : memref<1000xf32, #tpu.memory_space<vmem_shared>>) target(%arg10 : memref<12800xf32, #tpu.memory_space<vmem>>) offsets(%arg8 : memref<12800xi32, #tpu.memory_space<vmem>>) semaphore(%arg14 : memref<!tpu.dma_semaphore, #tpu.memory_space<semaphore_mem>>)
    %dma_wait3A = arith.constant 0 : i32
    %dma_wait3A_70 = tpu.memref_slice %arg12[%dma_wait3A] : memref<1000000xf32, #tpu.memory_space<vmem_shared>> -> memref<1000000xf32, #tpu.memory_space<vmem_shared>>
    tpu.wait_indirect_dma semaphore(%arg14 : memref<!tpu.dma_semaphore, #tpu.memory_space<semaphore_mem>>) src(%dma_wait3A_70 : memref<1000000xf32, #tpu.memory_space<vmem_shared>>) dst(%arg9 : memref<12800xf32, #tpu.memory_space<vmem>>)
    %dma_wait3A_71 = arith.constant 0 : i32
    %dma_wait3A_72 = tpu.memref_slice %arg13[%dma_wait3A_71] : memref<1000xf32, #tpu.memory_space<vmem_shared>> -> memref<1000xf32, #tpu.memory_space<vmem_shared>>
    tpu.wait_indirect_dma semaphore(%arg14 : memref<!tpu.dma_semaphore, #tpu.memory_space<semaphore_mem>>) src(%dma_wait3A_72 : memref<1000xf32, #tpu.memory_space<vmem_shared>>) dst(%arg10 : memref<12800xf32, #tpu.memory_space<vmem>>)
    %scan3A = arith.constant 0 : i32
    %scan3A_73 = arith.constant 100 : i32
    %scan3A_74 = arith.addi %scan3A, %scan3A_73 : i32
    %scan3A_75 = arith.constant 1 : i32
    %scan3A_76:8 = scf.for %scan3A_127 = %scan3A to %scan3A_74 step %scan3A_75 iter_args(%scan3A_128 = %broadcast_in_dim3A_51, %scan3A_129 = %broadcast_in_dim3A_53, %scan3A_130 = %broadcast_in_dim3A_55, %scan3A_131 = %broadcast_in_dim3A_57, %scan3A_132 = %broadcast_in_dim3A_59, %scan3A_133 = %broadcast_in_dim3A_61, %scan3A_134 = %broadcast_in_dim3A_63, %scan3A_135 = %broadcast_in_dim3A_65) -> (vector<16xf32>, vector<16xf32>, vector<16xf32>, vector<16xf32>, vector<16xf32>, vector<16xf32>, vector<16xf32>, vector<16xf32>)  : i32 {
      %mul3A_136 = arith.constant 128 : i32
      %mul3A_137 = arith.muli %scan3A_127, %mul3A_136 : i32
      %add3A_138 = arith.constant 0 : i32
      %add3A_139 = arith.addi %mul3A_137, %add3A_138 : i32
      %get3A = arith.index_cast %add3A_139 : i32 to index
      %get3A_140 = tpu.vector_load %arg9[%get3A] {strides = array<i32>} : memref<12800xf32, #tpu.memory_space<vmem>>, vector<16xf32>,
      %get3A_141 = vector.shape_cast %get3A_140 : vector<16xf32> to vector<16xf32>
      %add3A_142 = arith.addf %scan3A_128, %get3A_141 : vector<16xf32>
      %get3A_143 = arith.index_cast %add3A_139 : i32 to index
      %get3A_144 = tpu.vector_load %arg10[%get3A_143] {strides = array<i32>} : memref<12800xf32, #tpu.memory_space<vmem>>, vector<16xf32>,
      %get3A_145 = vector.shape_cast %get3A_144 : vector<16xf32> to vector<16xf32>
      %add3A_146 = arith.addf %add3A_142, %get3A_145 : vector<16xf32>
      %mul3A_147 = arith.constant 128 : i32
      %mul3A_148 = arith.muli %scan3A_127, %mul3A_147 : i32
      %add3A_149 = arith.constant 16 : i32
      %add3A_150 = arith.addi %mul3A_148, %add3A_149 : i32
      %get3A_151 = arith.index_cast %add3A_150 : i32 to index
      %get3A_152 = tpu.vector_load %arg9[%get3A_151] {strides = array<i32>} : memref<12800xf32, #tpu.memory_space<vmem>>, vector<16xf32>,
      %get3A_153 = vector.shape_cast %get3A_152 : vector<16xf32> to vector<16xf32>
      %add3A_154 = arith.addf %scan3A_129, %get3A_153 : vector<16xf32>
      %get3A_155 = arith.index_cast %add3A_150 : i32 to index
      %get3A_156 = tpu.vector_load %arg10[%get3A_155] {strides = array<i32>} : memref<12800xf32, #tpu.memory_space<vmem>>, vector<16xf32>,
      %get3A_157 = vector.shape_cast %get3A_156 : vector<16xf32> to vector<16xf32>
      %add3A_158 = arith.addf %add3A_154, %get3A_157 : vector<16xf32>
      %mul3A_159 = arith.constant 128 : i32
      %mul3A_160 = arith.muli %scan3A_127, %mul3A_159 : i32
      %add3A_161 = arith.constant 32 : i32
      %add3A_162 = arith.addi %mul3A_160, %add3A_161 : i32
      %get3A_163 = arith.index_cast %add3A_162 : i32 to index
      %get3A_164 = tpu.vector_load %arg9[%get3A_163] {strides = array<i32>} : memref<12800xf32, #tpu.memory_space<vmem>>, vector<16xf32>,
      %get3A_165 = vector.shape_cast %get3A_164 : vector<16xf32> to vector<16xf32>
      %add3A_166 = arith.addf %scan3A_130, %get3A_165 : vector<16xf32>
      %get3A_167 = arith.index_cast %add3A_162 : i32 to index
      %get3A_168 = tpu.vector_load %arg10[%get3A_167] {strides = array<i32>} : memref<12800xf32, #tpu.memory_space<vmem>>, vector<16xf32>,
      %get3A_169 = vector.shape_cast %get3A_168 : vector<16xf32> to vector<16xf32>
      %add3A_170 = arith.addf %add3A_166, %get3A_169 : vector<16xf32>
      %mul3A_171 = arith.constant 128 : i32
      %mul3A_172 = arith.muli %scan3A_127, %mul3A_171 : i32
      %add3A_173 = arith.constant 48 : i32
      %add3A_174 = arith.addi %mul3A_172, %add3A_173 : i32
      %get3A_175 = arith.index_cast %add3A_174 : i32 to index
      %get3A_176 = tpu.vector_load %arg9[%get3A_175] {strides = array<i32>} : memref<12800xf32, #tpu.memory_space<vmem>>, vector<16xf32>,
      %get3A_177 = vector.shape_cast %get3A_176 : vector<16xf32> to vector<16xf32>
      %add3A_178 = arith.addf %scan3A_131, %get3A_177 : vector<16xf32>
      %get3A_179 = arith.index_cast %add3A_174 : i32 to index
      %get3A_180 = tpu.vector_load %arg10[%get3A_179] {strides = array<i32>} : memref<12800xf32, #tpu.memory_space<vmem>>, vector<16xf32>,
      %get3A_181 = vector.shape_cast %get3A_180 : vector<16xf32> to vector<16xf32>
      %add3A_182 = arith.addf %add3A_178, %get3A_181 : vector<16xf32>
      %mul3A_183 = arith.constant 128 : i32
      %mul3A_184 = arith.muli %scan3A_127, %mul3A_183 : i32
      %add3A_185 = arith.constant 64 : i32
      %add3A_186 = arith.addi %mul3A_184, %add3A_185 : i32
      %get3A_187 = arith.index_cast %add3A_186 : i32 to index
      %get3A_188 = tpu.vector_load %arg9[%get3A_187] {strides = array<i32>} : memref<12800xf32, #tpu.memory_space<vmem>>, vector<16xf32>,
      %get3A_189 = vector.shape_cast %get3A_188 : vector<16xf32> to vector<16xf32>
      %add3A_190 = arith.addf %scan3A_132, %get3A_189 : vector<16xf32>
      %get3A_191 = arith.index_cast %add3A_186 : i32 to index
      %get3A_192 = tpu.vector_load %arg10[%get3A_191] {strides = array<i32>} : memref<12800xf32, #tpu.memory_space<vmem>>, vector<16xf32>,
      %get3A_193 = vector.shape_cast %get3A_192 : vector<16xf32> to vector<16xf32>
      %add3A_194 = arith.addf %add3A_190, %get3A_193 : vector<16xf32>
      %mul3A_195 = arith.constant 128 : i32
      %mul3A_196 = arith.muli %scan3A_127, %mul3A_195 : i32
      %add3A_197 = arith.constant 80 : i32
      %add3A_198 = arith.addi %mul3A_196, %add3A_197 : i32
      %get3A_199 = arith.index_cast %add3A_198 : i32 to index
      %get3A_200 = tpu.vector_load %arg9[%get3A_199] {strides = array<i32>} : memref<12800xf32, #tpu.memory_space<vmem>>, vector<16xf32>,
      %get3A_201 = vector.shape_cast %get3A_200 : vector<16xf32> to vector<16xf32>
      %add3A_202 = arith.addf %scan3A_133, %get3A_201 : vector<16xf32>
      %get3A_203 = arith.index_cast %add3A_198 : i32 to index
      %get3A_204 = tpu.vector_load %arg10[%get3A_203] {strides = array<i32>} : memref<12800xf32, #tpu.memory_space<vmem>>, vector<16xf32>,
      %get3A_205 = vector.shape_cast %get3A_204 : vector<16xf32> to vector<16xf32>
      %add3A_206 = arith.addf %add3A_202, %get3A_205 : vector<16xf32>
      %mul3A_207 = arith.constant 128 : i32
      %mul3A_208 = arith.muli %scan3A_127, %mul3A_207 : i32
      %add3A_209 = arith.constant 96 : i32
      %add3A_210 = arith.addi %mul3A_208, %add3A_209 : i32
      %get3A_211 = arith.index_cast %add3A_210 : i32 to index
      %get3A_212 = tpu.vector_load %arg9[%get3A_211] {strides = array<i32>} : memref<12800xf32, #tpu.memory_space<vmem>>, vector<16xf32>,
      %get3A_213 = vector.shape_cast %get3A_212 : vector<16xf32> to vector<16xf32>
      %add3A_214 = arith.addf %scan3A_134, %get3A_213 : vector<16xf32>
      %get3A_215 = arith.index_cast %add3A_210 : i32 to index
      %get3A_216 = tpu.vector_load %arg10[%get3A_215] {strides = array<i32>} : memref<12800xf32, #tpu.memory_space<vmem>>, vector<16xf32>,
      %get3A_217 = vector.shape_cast %get3A_216 : vector<16xf32> to vector<16xf32>
      %add3A_218 = arith.addf %add3A_214, %get3A_217 : vector<16xf32>
      %mul3A_219 = arith.constant 128 : i32
      %mul3A_220 = arith.muli %scan3A_127, %mul3A_219 : i32
      %add3A_221 = arith.constant 112 : i32
      %add3A_222 = arith.addi %mul3A_220, %add3A_221 : i32
      %get3A_223 = arith.index_cast %add3A_222 : i32 to index
      %get3A_224 = tpu.vector_load %arg9[%get3A_223] {strides = array<i32>} : memref<12800xf32, #tpu.memory_space<vmem>>, vector<16xf32>,
      %get3A_225 = vector.shape_cast %get3A_224 : vector<16xf32> to vector<16xf32>
      %add3A_226 = arith.addf %scan3A_135, %get3A_225 : vector<16xf32>
      %get3A_227 = arith.index_cast %add3A_222 : i32 to index
      %get3A_228 = tpu.vector_load %arg10[%get3A_227] {strides = array<i32>} : memref<12800xf32, #tpu.memory_space<vmem>>, vector<16xf32>,
      %get3A_229 = vector.shape_cast %get3A_228 : vector<16xf32> to vector<16xf32>
      %add3A_230 = arith.addf %add3A_226, %get3A_229 : vector<16xf32>
      scf.yield %add3A_146, %add3A_158, %add3A_170, %add3A_182, %add3A_194, %add3A_206, %add3A_218, %add3A_230 : vector<16xf32>, vector<16xf32>, vector<16xf32>, vector<16xf32>, vector<16xf32>, vector<16xf32>, vector<16xf32>, vector<16xf32>
    }
    %scan3A_77 = arith.constant 100 : i32
    %run_scoped3A_78 = arith.constant 1 : i32
    "tpu.region"() ({
      %run_scoped3A_127 = tpu.sem_alloc : memref<!tpu.dma_semaphore, #tpu.memory_space<semaphore_mem>>
      %dma_start3A_128 = arith.constant 0 : i32
      %dma_start3A_129 = tpu.memref_slice %arg3[%add3A, %run_scoped3A_78, %dma_start3A_128] : memref<32x2x12800xi32, #tpu.memory_space<hbm>> -> memref<1x1x12800xi32, #tpu.memory_space<hbm>>
      %dma_start3A_130 = tpu.memref_squeeze %dma_start3A_129 : memref<1x1x12800xi32, #tpu.memory_space<hbm>> -> memref<12800xi32, #tpu.memory_space<hbm>>
      %dma_start3A_131 = arith.constant 0 : i32
      %dma_start3A_132 = tpu.memref_slice %arg3[%add3A, %run_scoped3A_78, %dma_start3A_131] : memref<32x2x12800xi32, #tpu.memory_space<hbm>> -> memref<1x1x12800xi32, #tpu.memory_space<hbm>>
      %dma_start3A_133 = tpu.memref_squeeze %dma_start3A_132 : memref<1x1x12800xi32, #tpu.memory_space<hbm>> -> memref<12800xi32, #tpu.memory_space<hbm>>
      tpu.enqueue_dma source(%dma_start3A_133 : memref<12800xi32, #tpu.memory_space<hbm>>) target(%arg7 : memref<12800xi32, #tpu.memory_space<vmem>>) target_semaphore(%run_scoped3A_127 : memref<!tpu.dma_semaphore, #tpu.memory_space<semaphore_mem>>)
      %dma_wait3A_134 = arith.constant 0 : i32
      %dma_wait3A_135 = tpu.memref_slice %arg3[%add3A, %run_scoped3A_78, %dma_wait3A_134] : memref<32x2x12800xi32, #tpu.memory_space<hbm>> -> memref<1x1x12800xi32, #tpu.memory_space<hbm>>
      %dma_wait3A_136 = tpu.memref_squeeze %dma_wait3A_135 : memref<1x1x12800xi32, #tpu.memory_space<hbm>> -> memref<12800xi32, #tpu.memory_space<hbm>>
      %dma_wait3A_137 = arith.constant 0 : i32
      %dma_wait3A_138 = tpu.memref_slice %arg3[%add3A, %run_scoped3A_78, %dma_wait3A_137] : memref<32x2x12800xi32, #tpu.memory_space<hbm>> -> memref<1x1x12800xi32, #tpu.memory_space<hbm>>
      %dma_wait3A_139 = tpu.memref_squeeze %dma_wait3A_138 : memref<1x1x12800xi32, #tpu.memory_space<hbm>> -> memref<12800xi32, #tpu.memory_space<hbm>>
      tpu.wait_dma2 semaphore(%run_scoped3A_127 : memref<!tpu.dma_semaphore, #tpu.memory_space<semaphore_mem>>) src(%dma_wait3A_139 : memref<12800xi32, #tpu.memory_space<hbm>>) dst(%arg7 : memref<12800xi32, #tpu.memory_space<vmem>>)
      tpu.yield
    }) : () -> ()
    %run_scoped3A_79 = arith.constant 1 : i32
    "tpu.region"() ({
      %run_scoped3A_127 = tpu.sem_alloc : memref<!tpu.dma_semaphore, #tpu.memory_space<semaphore_mem>>
      %dma_start3A_128 = arith.constant 0 : i32
      %dma_start3A_129 = tpu.memref_slice %arg4[%add3A, %run_scoped3A_79, %dma_start3A_128] : memref<32x2x12800xi32, #tpu.memory_space<hbm>> -> memref<1x1x12800xi32, #tpu.memory_space<hbm>>
      %dma_start3A_130 = tpu.memref_squeeze %dma_start3A_129 : memref<1x1x12800xi32, #tpu.memory_space<hbm>> -> memref<12800xi32, #tpu.memory_space<hbm>>
      %dma_start3A_131 = arith.constant 0 : i32
      %dma_start3A_132 = tpu.memref_slice %arg4[%add3A, %run_scoped3A_79, %dma_start3A_131] : memref<32x2x12800xi32, #tpu.memory_space<hbm>> -> memref<1x1x12800xi32, #tpu.memory_space<hbm>>
      %dma_start3A_133 = tpu.memref_squeeze %dma_start3A_132 : memref<1x1x12800xi32, #tpu.memory_space<hbm>> -> memref<12800xi32, #tpu.memory_space<hbm>>
      tpu.enqueue_dma source(%dma_start3A_133 : memref<12800xi32, #tpu.memory_space<hbm>>) target(%arg8 : memref<12800xi32, #tpu.memory_space<vmem>>) target_semaphore(%run_scoped3A_127 : memref<!tpu.dma_semaphore, #tpu.memory_space<semaphore_mem>>)
      %dma_wait3A_134 = arith.constant 0 : i32
      %dma_wait3A_135 = tpu.memref_slice %arg4[%add3A, %run_scoped3A_79, %dma_wait3A_134] : memref<32x2x12800xi32, #tpu.memory_space<hbm>> -> memref<1x1x12800xi32, #tpu.memory_space<hbm>>
      %dma_wait3A_136 = tpu.memref_squeeze %dma_wait3A_135 : memref<1x1x12800xi32, #tpu.memory_space<hbm>> -> memref<12800xi32, #tpu.memory_space<hbm>>
      %dma_wait3A_137 = arith.constant 0 : i32
      %dma_wait3A_138 = tpu.memref_slice %arg4[%add3A, %run_scoped3A_79, %dma_wait3A_137] : memref<32x2x12800xi32, #tpu.memory_space<hbm>> -> memref<1x1x12800xi32, #tpu.memory_space<hbm>>
      %dma_wait3A_139 = tpu.memref_squeeze %dma_wait3A_138 : memref<1x1x12800xi32, #tpu.memory_space<hbm>> -> memref<12800xi32, #tpu.memory_space<hbm>>
      tpu.wait_dma2 semaphore(%run_scoped3A_127 : memref<!tpu.dma_semaphore, #tpu.memory_space<semaphore_mem>>) src(%dma_wait3A_139 : memref<12800xi32, #tpu.memory_space<hbm>>) dst(%arg8 : memref<12800xi32, #tpu.memory_space<vmem>>)
      tpu.yield
    }) : () -> ()
    %dma_start3A_80 = arith.constant 0 : i32
    %dma_start3A_81 = tpu.memref_slice %arg12[%dma_start3A_80] : memref<1000000xf32, #tpu.memory_space<vmem_shared>> -> memref<1000000xf32, #tpu.memory_space<vmem_shared>>
    tpu.enqueue_indirect_dma source(%dma_start3A_81 : memref<1000000xf32, #tpu.memory_space<vmem_shared>>) target(%arg9 : memref<12800xf32, #tpu.memory_space<vmem>>) offsets(%arg7 : memref<12800xi32, #tpu.memory_space<vmem>>) semaphore(%arg14 : memref<!tpu.dma_semaphore, #tpu.memory_space<semaphore_mem>>)
    %dma_start3A_82 = arith.constant 0 : i32
    %dma_start3A_83 = tpu.memref_slice %arg13[%dma_start3A_82] : memref<1000xf32, #tpu.memory_space<vmem_shared>> -> memref<1000xf32, #tpu.memory_space<vmem_shared>>
    tpu.enqueue_indirect_dma source(%dma_start3A_83 : memref<1000xf32, #tpu.memory_space<vmem_shared>>) target(%arg10 : memref<12800xf32, #tpu.memory_space<vmem>>) offsets(%arg8 : memref<12800xi32, #tpu.memory_space<vmem>>) semaphore(%arg14 : memref<!tpu.dma_semaphore, #tpu.memory_space<semaphore_mem>>)
    %dma_wait3A_84 = arith.constant 0 : i32
    %dma_wait3A_85 = tpu.memref_slice %arg12[%dma_wait3A_84] : memref<1000000xf32, #tpu.memory_space<vmem_shared>> -> memref<1000000xf32, #tpu.memory_space<vmem_shared>>
    tpu.wait_indirect_dma semaphore(%arg14 : memref<!tpu.dma_semaphore, #tpu.memory_space<semaphore_mem>>) src(%dma_wait3A_85 : memref<1000000xf32, #tpu.memory_space<vmem_shared>>) dst(%arg9 : memref<12800xf32, #tpu.memory_space<vmem>>)
    %dma_wait3A_86 = arith.constant 0 : i32
    %dma_wait3A_87 = tpu.memref_slice %arg13[%dma_wait3A_86] : memref<1000xf32, #tpu.memory_space<vmem_shared>> -> memref<1000xf32, #tpu.memory_space<vmem_shared>>
    tpu.wait_indirect_dma semaphore(%arg14 : memref<!tpu.dma_semaphore, #tpu.memory_space<semaphore_mem>>) src(%dma_wait3A_87 : memref<1000xf32, #tpu.memory_space<vmem_shared>>) dst(%arg10 : memref<12800xf32, #tpu.memory_space<vmem>>)
    %scan3A_88 = arith.constant 0 : i32
    %scan3A_89 = arith.constant 100 : i32
    %scan3A_90 = arith.addi %scan3A_88, %scan3A_89 : i32
    %scan3A_91 = arith.constant 1 : i32
    %scan3A_92:8 = scf.for %scan3A_127 = %scan3A_88 to %scan3A_90 step %scan3A_91 iter_args(%scan3A_128 = %scan3A_76#0, %scan3A_129 = %scan3A_76#1, %scan3A_130 = %scan3A_76#2, %scan3A_131 = %scan3A_76#3, %scan3A_132 = %scan3A_76#4, %scan3A_133 = %scan3A_76#5, %scan3A_134 = %scan3A_76#6, %scan3A_135 = %scan3A_76#7) -> (vector<16xf32>, vector<16xf32>, vector<16xf32>, vector<16xf32>, vector<16xf32>, vector<16xf32>, vector<16xf32>, vector<16xf32>)  : i32 {
      %mul3A_136 = arith.constant 128 : i32
      %mul3A_137 = arith.muli %scan3A_127, %mul3A_136 : i32
      %add3A_138 = arith.constant 0 : i32
      %add3A_139 = arith.addi %mul3A_137, %add3A_138 : i32
      %get3A = arith.index_cast %add3A_139 : i32 to index
      %get3A_140 = tpu.vector_load %arg9[%get3A] {strides = array<i32>} : memref<12800xf32, #tpu.memory_space<vmem>>, vector<16xf32>,
      %get3A_141 = vector.shape_cast %get3A_140 : vector<16xf32> to vector<16xf32>
      %add3A_142 = arith.addf %scan3A_128, %get3A_141 : vector<16xf32>
      %get3A_143 = arith.index_cast %add3A_139 : i32 to index
      %get3A_144 = tpu.vector_load %arg10[%get3A_143] {strides = array<i32>} : memref<12800xf32, #tpu.memory_space<vmem>>, vector<16xf32>,
      %get3A_145 = vector.shape_cast %get3A_144 : vector<16xf32> to vector<16xf32>
      %add3A_146 = arith.addf %add3A_142, %get3A_145 : vector<16xf32>
      %mul3A_147 = arith.constant 128 : i32
      %mul3A_148 = arith.muli %scan3A_127, %mul3A_147 : i32
      %add3A_149 = arith.constant 16 : i32
      %add3A_150 = arith.addi %mul3A_148, %add3A_149 : i32
      %get3A_151 = arith.index_cast %add3A_150 : i32 to index
      %get3A_152 = tpu.vector_load %arg9[%get3A_151] {strides = array<i32>} : memref<12800xf32, #tpu.memory_space<vmem>>, vector<16xf32>,
      %get3A_153 = vector.shape_cast %get3A_152 : vector<16xf32> to vector<16xf32>
      %add3A_154 = arith.addf %scan3A_129, %get3A_153 : vector<16xf32>
      %get3A_155 = arith.index_cast %add3A_150 : i32 to index
      %get3A_156 = tpu.vector_load %arg10[%get3A_155] {strides = array<i32>} : memref<12800xf32, #tpu.memory_space<vmem>>, vector<16xf32>,
      %get3A_157 = vector.shape_cast %get3A_156 : vector<16xf32> to vector<16xf32>
      %add3A_158 = arith.addf %add3A_154, %get3A_157 : vector<16xf32>
      %mul3A_159 = arith.constant 128 : i32
      %mul3A_160 = arith.muli %scan3A_127, %mul3A_159 : i32
      %add3A_161 = arith.constant 32 : i32
      %add3A_162 = arith.addi %mul3A_160, %add3A_161 : i32
      %get3A_163 = arith.index_cast %add3A_162 : i32 to index
      %get3A_164 = tpu.vector_load %arg9[%get3A_163] {strides = array<i32>} : memref<12800xf32, #tpu.memory_space<vmem>>, vector<16xf32>,
      %get3A_165 = vector.shape_cast %get3A_164 : vector<16xf32> to vector<16xf32>
      %add3A_166 = arith.addf %scan3A_130, %get3A_165 : vector<16xf32>
      %get3A_167 = arith.index_cast %add3A_162 : i32 to index
      %get3A_168 = tpu.vector_load %arg10[%get3A_167] {strides = array<i32>} : memref<12800xf32, #tpu.memory_space<vmem>>, vector<16xf32>,
      %get3A_169 = vector.shape_cast %get3A_168 : vector<16xf32> to vector<16xf32>
      %add3A_170 = arith.addf %add3A_166, %get3A_169 : vector<16xf32>
      %mul3A_171 = arith.constant 128 : i32
      %mul3A_172 = arith.muli %scan3A_127, %mul3A_171 : i32
      %add3A_173 = arith.constant 48 : i32
      %add3A_174 = arith.addi %mul3A_172, %add3A_173 : i32
      %get3A_175 = arith.index_cast %add3A_174 : i32 to index
      %get3A_176 = tpu.vector_load %arg9[%get3A_175] {strides = array<i32>} : memref<12800xf32, #tpu.memory_space<vmem>>, vector<16xf32>,
      %get3A_177 = vector.shape_cast %get3A_176 : vector<16xf32> to vector<16xf32>
      %add3A_178 = arith.addf %scan3A_131, %get3A_177 : vector<16xf32>
      %get3A_179 = arith.index_cast %add3A_174 : i32 to index
      %get3A_180 = tpu.vector_load %arg10[%get3A_179] {strides = array<i32>} : memref<12800xf32, #tpu.memory_space<vmem>>, vector<16xf32>,
      %get3A_181 = vector.shape_cast %get3A_180 : vector<16xf32> to vector<16xf32>
      %add3A_182 = arith.addf %add3A_178, %get3A_181 : vector<16xf32>
      %mul3A_183 = arith.constant 128 : i32
      %mul3A_184 = arith.muli %scan3A_127, %mul3A_183 : i32
      %add3A_185 = arith.constant 64 : i32
      %add3A_186 = arith.addi %mul3A_184, %add3A_185 : i32
      %get3A_187 = arith.index_cast %add3A_186 : i32 to index
      %get3A_188 = tpu.vector_load %arg9[%get3A_187] {strides = array<i32>} : memref<12800xf32, #tpu.memory_space<vmem>>, vector<16xf32>,
      %get3A_189 = vector.shape_cast %get3A_188 : vector<16xf32> to vector<16xf32>
      %add3A_190 = arith.addf %scan3A_132, %get3A_189 : vector<16xf32>
      %get3A_191 = arith.index_cast %add3A_186 : i32 to index
      %get3A_192 = tpu.vector_load %arg10[%get3A_191] {strides = array<i32>} : memref<12800xf32, #tpu.memory_space<vmem>>, vector<16xf32>,
      %get3A_193 = vector.shape_cast %get3A_192 : vector<16xf32> to vector<16xf32>
      %add3A_194 = arith.addf %add3A_190, %get3A_193 : vector<16xf32>
      %mul3A_195 = arith.constant 128 : i32
      %mul3A_196 = arith.muli %scan3A_127, %mul3A_195 : i32
      %add3A_197 = arith.constant 80 : i32
      %add3A_198 = arith.addi %mul3A_196, %add3A_197 : i32
      %get3A_199 = arith.index_cast %add3A_198 : i32 to index
      %get3A_200 = tpu.vector_load %arg9[%get3A_199] {strides = array<i32>} : memref<12800xf32, #tpu.memory_space<vmem>>, vector<16xf32>,
      %get3A_201 = vector.shape_cast %get3A_200 : vector<16xf32> to vector<16xf32>
      %add3A_202 = arith.addf %scan3A_133, %get3A_201 : vector<16xf32>
      %get3A_203 = arith.index_cast %add3A_198 : i32 to index
      %get3A_204 = tpu.vector_load %arg10[%get3A_203] {strides = array<i32>} : memref<12800xf32, #tpu.memory_space<vmem>>, vector<16xf32>,
      %get3A_205 = vector.shape_cast %get3A_204 : vector<16xf32> to vector<16xf32>
      %add3A_206 = arith.addf %add3A_202, %get3A_205 : vector<16xf32>
      %mul3A_207 = arith.constant 128 : i32
      %mul3A_208 = arith.muli %scan3A_127, %mul3A_207 : i32
      %add3A_209 = arith.constant 96 : i32
      %add3A_210 = arith.addi %mul3A_208, %add3A_209 : i32
      %get3A_211 = arith.index_cast %add3A_210 : i32 to index
      %get3A_212 = tpu.vector_load %arg9[%get3A_211] {strides = array<i32>} : memref<12800xf32, #tpu.memory_space<vmem>>, vector<16xf32>,
      %get3A_213 = vector.shape_cast %get3A_212 : vector<16xf32> to vector<16xf32>
      %add3A_214 = arith.addf %scan3A_134, %get3A_213 : vector<16xf32>
      %get3A_215 = arith.index_cast %add3A_210 : i32 to index
      %get3A_216 = tpu.vector_load %arg10[%get3A_215] {strides = array<i32>} : memref<12800xf32, #tpu.memory_space<vmem>>, vector<16xf32>,
      %get3A_217 = vector.shape_cast %get3A_216 : vector<16xf32> to vector<16xf32>
      %add3A_218 = arith.addf %add3A_214, %get3A_217 : vector<16xf32>
      %mul3A_219 = arith.constant 128 : i32
      %mul3A_220 = arith.muli %scan3A_127, %mul3A_219 : i32
      %add3A_221 = arith.constant 112 : i32
      %add3A_222 = arith.addi %mul3A_220, %add3A_221 : i32
      %get3A_223 = arith.index_cast %add3A_222 : i32 to index
      %get3A_224 = tpu.vector_load %arg9[%get3A_223] {strides = array<i32>} : memref<12800xf32, #tpu.memory_space<vmem>>, vector<16xf32>,
      %get3A_225 = vector.shape_cast %get3A_224 : vector<16xf32> to vector<16xf32>
      %add3A_226 = arith.addf %scan3A_135, %get3A_225 : vector<16xf32>
      %get3A_227 = arith.index_cast %add3A_222 : i32 to index
      %get3A_228 = tpu.vector_load %arg10[%get3A_227] {strides = array<i32>} : memref<12800xf32, #tpu.memory_space<vmem>>, vector<16xf32>,
      %get3A_229 = vector.shape_cast %get3A_228 : vector<16xf32> to vector<16xf32>
      %add3A_230 = arith.addf %add3A_226, %get3A_229 : vector<16xf32>
      scf.yield %add3A_146, %add3A_158, %add3A_170, %add3A_182, %add3A_194, %add3A_206, %add3A_218, %add3A_230 : vector<16xf32>, vector<16xf32>, vector<16xf32>, vector<16xf32>, vector<16xf32>, vector<16xf32>, vector<16xf32>, vector<16xf32>
    }
    %scan3A_93 = arith.constant 100 : i32
    %swap3A = arith.constant 0 : index
    %swap3A_94 = tpu.vector_load %arg11[%swap3A] {strides = array<i32>} : memref<128xf32, #tpu.memory_space<vmem>>, vector<16xf32>,
    %swap3A_95 = vector.shape_cast %swap3A_94 : vector<16xf32> to vector<16xf32>
    %swap3A_96 = vector.shape_cast %scan3A_92#0 : vector<16xf32> to vector<16xf32>
    tpu.vector_store %arg11[%swap3A], %swap3A_96 {strides = array<i32>} : memref<128xf32, #tpu.memory_space<vmem>>, vector<16xf32>,
    %swap3A_97 = arith.constant 16 : index
    %swap3A_98 = tpu.vector_load %arg11[%swap3A_97] {strides = array<i32>} : memref<128xf32, #tpu.memory_space<vmem>>, vector<16xf32>,
    %swap3A_99 = vector.shape_cast %swap3A_98 : vector<16xf32> to vector<16xf32>
    %swap3A_100 = vector.shape_cast %scan3A_92#1 : vector<16xf32> to vector<16xf32>
    tpu.vector_store %arg11[%swap3A_97], %swap3A_100 {strides = array<i32>} : memref<128xf32, #tpu.memory_space<vmem>>, vector<16xf32>,
    %swap3A_101 = arith.constant 32 : index
    %swap3A_102 = tpu.vector_load %arg11[%swap3A_101] {strides = array<i32>} : memref<128xf32, #tpu.memory_space<vmem>>, vector<16xf32>,
    %swap3A_103 = vector.shape_cast %swap3A_102 : vector<16xf32> to vector<16xf32>
    %swap3A_104 = vector.shape_cast %scan3A_92#2 : vector<16xf32> to vector<16xf32>
    tpu.vector_store %arg11[%swap3A_101], %swap3A_104 {strides = array<i32>} : memref<128xf32, #tpu.memory_space<vmem>>, vector<16xf32>,
    %swap3A_105 = arith.constant 48 : index
    %swap3A_106 = tpu.vector_load %arg11[%swap3A_105] {strides = array<i32>} : memref<128xf32, #tpu.memory_space<vmem>>, vector<16xf32>,
    %swap3A_107 = vector.shape_cast %swap3A_106 : vector<16xf32> to vector<16xf32>
    %swap3A_108 = vector.shape_cast %scan3A_92#3 : vector<16xf32> to vector<16xf32>
    tpu.vector_store %arg11[%swap3A_105], %swap3A_108 {strides = array<i32>} : memref<128xf32, #tpu.memory_space<vmem>>, vector<16xf32>,
    %swap3A_109 = arith.constant 64 : index
    %swap3A_110 = tpu.vector_load %arg11[%swap3A_109] {strides = array<i32>} : memref<128xf32, #tpu.memory_space<vmem>>, vector<16xf32>,
    %swap3A_111 = vector.shape_cast %swap3A_110 : vector<16xf32> to vector<16xf32>
    %swap3A_112 = vector.shape_cast %scan3A_92#4 : vector<16xf32> to vector<16xf32>
    tpu.vector_store %arg11[%swap3A_109], %swap3A_112 {strides = array<i32>} : memref<128xf32, #tpu.memory_space<vmem>>, vector<16xf32>,
    %swap3A_113 = arith.constant 80 : index
    %swap3A_114 = tpu.vector_load %arg11[%swap3A_113] {strides = array<i32>} : memref<128xf32, #tpu.memory_space<vmem>>, vector<16xf32>,
    %swap3A_115 = vector.shape_cast %swap3A_114 : vector<16xf32> to vector<16xf32>
    %swap3A_116 = vector.shape_cast %scan3A_92#5 : vector<16xf32> to vector<16xf32>
    tpu.vector_store %arg11[%swap3A_113], %swap3A_116 {strides = array<i32>} : memref<128xf32, #tpu.memory_space<vmem>>, vector<16xf32>,
    %swap3A_117 = arith.constant 96 : index
    %swap3A_118 = tpu.vector_load %arg11[%swap3A_117] {strides = array<i32>} : memref<128xf32, #tpu.memory_space<vmem>>, vector<16xf32>,
    %swap3A_119 = vector.shape_cast %swap3A_118 : vector<16xf32> to vector<16xf32>
    %swap3A_120 = vector.shape_cast %scan3A_92#6 : vector<16xf32> to vector<16xf32>
    tpu.vector_store %arg11[%swap3A_117], %swap3A_120 {strides = array<i32>} : memref<128xf32, #tpu.memory_space<vmem>>, vector<16xf32>,
    %swap3A_121 = arith.constant 112 : index
    %swap3A_122 = tpu.vector_load %arg11[%swap3A_121] {strides = array<i32>} : memref<128xf32, #tpu.memory_space<vmem>>, vector<16xf32>,
    %swap3A_123 = vector.shape_cast %swap3A_122 : vector<16xf32> to vector<16xf32>
    %swap3A_124 = vector.shape_cast %scan3A_92#7 : vector<16xf32> to vector<16xf32>
    tpu.vector_store %arg11[%swap3A_121], %swap3A_124 {strides = array<i32>} : memref<128xf32, #tpu.memory_space<vmem>>, vector<16xf32>,
    %mul3A_125 = arith.constant 128 : i32
    %mul3A_126 = arith.muli %add3A, %mul3A_125 : i32
    "tpu.region"() ({
      %run_scoped3A_127 = tpu.sem_alloc : memref<!tpu.dma_semaphore, #tpu.memory_space<semaphore_mem>>
      %dma_start3A_128 = tpu.memref_slice %arg6[%mul3A_126] : memref<4096xf32, #tpu.memory_space<hbm>> -> memref<128xf32, #tpu.memory_space<hbm>>
      %dma_start3A_129 = tpu.memref_slice %arg6[%mul3A_126] : memref<4096xf32, #tpu.memory_space<hbm>> -> memref<128xf32, #tpu.memory_space<hbm>>
      tpu.enqueue_dma source(%arg11 : memref<128xf32, #tpu.memory_space<vmem>>) target(%dma_start3A_129 : memref<128xf32, #tpu.memory_space<hbm>>) target_semaphore(%run_scoped3A_127 : memref<!tpu.dma_semaphore, #tpu.memory_space<semaphore_mem>>)
      %dma_wait3A_130 = tpu.memref_slice %arg6[%mul3A_126] : memref<4096xf32, #tpu.memory_space<hbm>> -> memref<128xf32, #tpu.memory_space<hbm>>
      %dma_wait3A_131 = tpu.memref_slice %arg6[%mul3A_126] : memref<4096xf32, #tpu.memory_space<hbm>> -> memref<128xf32, #tpu.memory_space<hbm>>
      tpu.wait_dma2 semaphore(%run_scoped3A_127 : memref<!tpu.dma_semaphore, #tpu.memory_space<semaphore_mem>>) src(%arg11 : memref<128xf32, #tpu.memory_space<vmem>>) dst(%dma_wait3A_131 : memref<128xf32, #tpu.memory_space<hbm>>)
      tpu.yield
    }) : () -> ()
    return
  }
}

module attributes {stable_mosaic.version = 14 : i64} {
  func.func @_eproj_body(%arg0: i32, %arg1: memref<16384x128xf32, #tpu.memory_space<vmem>>, %arg2: memref<1x128xf32, #tpu.memory_space<vmem>>, %arg3: memref<16384xf32, #tpu.memory_space<vmem>>) attributes {dimension_semantics = [#tpu.dimension_semantics<arbitrary>], iteration_bounds = array<i64: 62>, scalar_prefetch = 0 : i64, scratch_operands = 0 : i64, tpu.core_type = #tpu.core_type<tc>, window_params = [{transform_indices = @transform_0, window_bounds = array<i64: 16384, 128>}, {pipeline_mode = #tpu.pipeline_mode<synchronous>, transform_indices = @transform_1, window_bounds = array<i64: 1, 128>}, {transform_indices = @transform_2, window_bounds = array<i64: 16384>}]} {
    %get3A = arith.constant 0 : index
    %get3A_0 = arith.constant 0 : index
    %get3A_1 = vector.load %arg2[%get3A, %get3A_0] : memref<1x128xf32, #tpu.memory_space<vmem>>, vector<1x128xf32>
    %get3A_2 = arith.constant 0 : index
    %get3A_3 = arith.constant 0 : index
    %get3A_4 = vector.load %arg1[%get3A_2, %get3A_3] : memref<16384x128xf32, #tpu.memory_space<vmem>>, vector<16384x128xf32>
    %dot_general3A = arith.constant dense<0.000000e+00> : vector<1x16384xf32>
    %dot_general3A_5 = tpu.matmul %get3A_1, %get3A_4, %dot_general3A {dimension_numbers = #tpu.dot_dimension_numbers<[1], [1], [0], [0], [0, 0, 1, 0], [], []>, transpose_lhs_hint = false} : vector<1x128xf32>, vector<16384x128xf32>, vector<1x16384xf32> -> vector<1x16384xf32>
    %reshape3A = vector.shape_cast %dot_general3A_5 : vector<1x16384xf32> to vector<16384xf32>
    %swap3A = arith.constant 0 : index
    %swap3A_6 = vector.load %arg3[%swap3A] : memref<16384xf32, #tpu.memory_space<vmem>>, vector<16384xf32>
    tpu.vector_store %arg3[%swap3A], %reshape3A {strides = array<i32>} : memref<16384xf32, #tpu.memory_space<vmem>>, vector<16384xf32>,
    return
  }
  func.func @transform_0(%arg0: i32) -> (i32, i32) {
    %c0_i32 = arith.constant 0 : i32
    %c0_i32_0 = arith.constant 0 : i32
    return %arg0, %c0_i32 : i32, i32
  }
  func.func @transform_1(%arg0: i32) -> (i32, i32) {
    %c0_i32 = arith.constant 0 : i32
    %c0_i32_0 = arith.constant 0 : i32
    %c0_i32_1 = arith.constant 0 : i32
    return %c0_i32, %c0_i32_0 : i32, i32
  }
  func.func @transform_2(%arg0: i32) -> i32 {
    %c0_i32 = arith.constant 0 : i32
    return %arg0 : i32
  }
}

module attributes {stable_mosaic.version = 14 : i64} {
  func.func @_sproj_body(%arg0: memref<1000x32xf32, #tpu.memory_space<vmem>>, %arg1: memref<1x32xf32, #tpu.memory_space<vmem>>, %arg2: memref<1000xf32, #tpu.memory_space<vmem>>) attributes {dimension_semantics = [], scalar_prefetch = 0 : i64, scratch_operands = 0 : i64, tpu.core_type = #tpu.core_type<tc>} {
    %get3A = arith.constant 0 : index
    %get3A_0 = arith.constant 0 : index
    %get3A_1 = vector.load %arg1[%get3A, %get3A_0] : memref<1x32xf32, #tpu.memory_space<vmem>>, vector<1x32xf32>
    %get3A_2 = arith.constant 0 : index
    %get3A_3 = arith.constant 0 : index
    %get3A_4 = vector.load %arg0[%get3A_2, %get3A_3] : memref<1000x32xf32, #tpu.memory_space<vmem>>, vector<1000x32xf32>
    %dot_general3A = arith.constant dense<0.000000e+00> : vector<1x1000xf32>
    %dot_general3A_5 = tpu.matmul %get3A_1, %get3A_4, %dot_general3A {dimension_numbers = #tpu.dot_dimension_numbers<[1], [1], [0], [0], [0, 0, 1, 0], [], []>, transpose_lhs_hint = false} : vector<1x32xf32>, vector<1000x32xf32>, vector<1x1000xf32> -> vector<1x1000xf32>
    %reshape3A = vector.shape_cast %dot_general3A_5 : vector<1x1000xf32> to vector<1000xf32>
    %swap3A = arith.constant 0 : index
    %swap3A_6 = vector.load %arg2[%swap3A] : memref<1000xf32, #tpu.memory_space<vmem>>, vector<1000xf32>
    tpu.vector_store %arg2[%swap3A], %reshape3A {strides = array<i32>} : memref<1000xf32, #tpu.memory_space<vmem>>, vector<1000xf32>,
    return
  }
}

module attributes {stable_mosaic.version = 14 : i64} {
  func.func @_aacc_body(%arg0: i32, %arg1: memref<200x64x256xf32, #tpu.memory_space<vmem>>, %arg2: memref<64x1xf32, #tpu.memory_space<vmem>>, %arg3: memref<1x1xf32, #tpu.memory_space<vmem>>, %arg4: memref<256xf32, #tpu.memory_space<vmem>>) attributes {dimension_semantics = [#tpu.dimension_semantics<arbitrary>], iteration_bounds = array<i64: 16>, scalar_prefetch = 0 : i64, scratch_operands = 0 : i64, tpu.core_type = #tpu.core_type<tc>, window_params = [{transform_indices = @transform_0, window_bounds = array<i64: 200, 64, 256>}, {pipeline_mode = #tpu.pipeline_mode<synchronous>, transform_indices = @transform_1, window_bounds = array<i64: 64, 1>}, {pipeline_mode = #tpu.pipeline_mode<synchronous>, transform_indices = @transform_2, window_bounds = array<i64: 1, 1>}, {transform_indices = @transform_3, window_bounds = array<i64: 256>}]} {
    %get3A = arith.constant 0 : index
    %get3A_0 = arith.constant 0 : index
    %get3A_1 = vector.load %arg2[%get3A, %get3A_0] : memref<64x1xf32, #tpu.memory_space<vmem>>, vector<64x1xf32>
    %broadcast_in_dim3A = vector.shape_cast %get3A_1 : vector<64x1xf32> to vector<1x64x1xf32>
    %get3A_2 = arith.constant 0 : index
    %get3A_3 = arith.constant 0 : index
    %get3A_4 = arith.constant 0 : index
    %get3A_5 = vector.load %arg1[%get3A_2, %get3A_3, %get3A_4] : memref<200x64x256xf32, #tpu.memory_space<vmem>>, vector<200x64x256xf32>
    %mul3A = vector.broadcast %broadcast_in_dim3A : vector<1x64x1xf32> to vector<200x64x256xf32>
    %mul3A_6 = arith.mulf %get3A_5, %mul3A : vector<200x64x256xf32>
    %reduce_sum3A = arith.constant dense<0.000000e+00> : vector<256xf32>
    %reduce_sum3A_7 = vector.multi_reduction <add>, %mul3A_6, %reduce_sum3A [0, 1] : vector<200x64x256xf32> to vector<256xf32>
    %get3A_8 = arith.constant 0 : index
    %get3A_9 = arith.constant 0 : index
    %get3A_10 = vector.load %arg3[%get3A_8, %get3A_9] : memref<1x1xf32, #tpu.memory_space<vmem>>, vector<1x1xf32>
    %get3A_11 = vector.extract %get3A_10[0, 0] : f32 from vector<1x1xf32>
    %mul3A_12 = arith.constant 2.000000e+02 : f32
    %mul3A_13 = arith.mulf %get3A_11, %mul3A_12 : f32
    %add3A = vector.broadcast %mul3A_13 : f32 to vector<256xf32>
    %add3A_14 = arith.addf %reduce_sum3A_7, %add3A : vector<256xf32>
    %swap3A = arith.constant 0 : index
    %swap3A_15 = vector.load %arg4[%swap3A] : memref<256xf32, #tpu.memory_space<vmem>>, vector<256xf32>
    tpu.vector_store %arg4[%swap3A], %add3A_14 {strides = array<i32>} : memref<256xf32, #tpu.memory_space<vmem>>, vector<256xf32>,
    return
  }
  func.func @transform_0(%arg0: i32) -> (i32, i32, i32) {
    %c0_i32 = arith.constant 0 : i32
    %c0_i32_0 = arith.constant 0 : i32
    %c0_i32_1 = arith.constant 0 : i32
    return %c0_i32, %c0_i32_0, %arg0 : i32, i32, i32
  }
  func.func @transform_1(%arg0: i32) -> (i32, i32) {
    %c0_i32 = arith.constant 0 : i32
    %c0_i32_0 = arith.constant 0 : i32
    %c0_i32_1 = arith.constant 0 : i32
    return %c0_i32, %c0_i32_0 : i32, i32
  }
  func.func @transform_2(%arg0: i32) -> (i32, i32) {
    %c0_i32 = arith.constant 0 : i32
    %c0_i32_0 = arith.constant 0 : i32
    %c0_i32_1 = arith.constant 0 : i32
    return %c0_i32, %c0_i32_0 : i32, i32
  }
  func.func @transform_3(%arg0: i32) -> i32 {
    %c0_i32 = arith.constant 0 : i32
    return %arg0 : i32
  }
}

module attributes {stable_mosaic.version = 14 : i64} {
  func.func @_final_body(%arg0: memref<4096xf32, #tpu.memory_space<vmem>>, %arg1: memref<4096xf32, #tpu.memory_space<vmem>>, %arg2: memref<4096xf32, #tpu.memory_space<vmem>>) attributes {dimension_semantics = [], scalar_prefetch = 0 : i64, scratch_operands = 0 : i64, tpu.core_type = #tpu.core_type<tc>} {
    %get3A = arith.constant 0 : index
    %get3A_0 = vector.load %arg0[%get3A] : memref<4096xf32, #tpu.memory_space<vmem>>, vector<4096xf32>
    %get3A_1 = arith.constant 0 : index
    %get3A_2 = vector.load %arg1[%get3A_1] : memref<4096xf32, #tpu.memory_space<vmem>>, vector<4096xf32>
    %add3A = arith.addf %get3A_0, %get3A_2 : vector<4096xf32>
    %mul3A = arith.constant 5.000000e-03 : f32
    %mul3A_3 = vector.broadcast %mul3A : f32 to vector<4096xf32>
    %mul3A_4 = arith.mulf %add3A, %mul3A_3 : vector<4096xf32>
    %neg3A = arith.constant 0.000000e+00 : f32
    %neg3A_5 = vector.broadcast %neg3A : f32 to vector<4096xf32>
    %neg3A_6 = arith.subf %neg3A_5, %mul3A_4 : vector<4096xf32>
    %exp3A = math.exp %neg3A_6 : vector<4096xf32>
    %add3A_7 = arith.constant 1.000000e+00 : f32
    %add3A_8 = vector.broadcast %add3A_7 : f32 to vector<4096xf32>
    %add3A_9 = arith.addf %add3A_8, %exp3A : vector<4096xf32>
    %div3A = arith.constant 1.000000e+00 : f32
    %div3A_10 = vector.broadcast %div3A : f32 to vector<4096xf32>
    %div3A_11 = arith.divf %div3A_10, %add3A_9 : vector<4096xf32>
    %swap3A = arith.constant 0 : index
    %swap3A_12 = vector.load %arg2[%swap3A] : memref<4096xf32, #tpu.memory_space<vmem>>, vector<4096xf32>
    tpu.vector_store %arg2[%swap3A], %div3A_11 {strides = array<i32>} : memref<4096xf32, #tpu.memory_space<vmem>>, vector<4096xf32>,
    return
  }
}

</mosaic_0001>

<sc_bundles>
// kernel: kernel.7.cloned.1.call-start
scs
__scs_entry_jumppad:
0x0: {  	(pc) =	sbr.rel $0x88, $3  }
0x1: {  	(tag) =	ssettag $0x0;
	lr =	simm.s32 $0x1  }
0x2: {  	[smem:$0x3F9A] =	sst lr;
	_ =	strace $0xD0000000  }
0x3: {  	_ = 	snop  }
0x4: {  	_ = 	snop  }
0x5: {  	_ = 	snop  }
0x6: {  	_ = 	snop  }
0x7: {  	_ = 	snop  }
__scs_overlays_trampoline_lowered:
0x8: {  	[smem:$0x3FA9] =	sst s0  }
0x9: {  	[smem:$0x3FAA] =	sst s1  }
0xa: {  	[smem:$0x3FAB] =	sst s2  }
0xb: {  	[smem:$0x3FAC] =	sst s3  }
0xc: {  	[smem:$0x3FAD] =	sst s4  }
0xd: {  	[smem:$0x3FAE] =	sst s5  }
0xe: {  	[smem:$0x3FAF] =	sst s6  }
0xf: {  	[smem:$0x3FB0] =	sst s7  }
0x10: {  	[smem:$0x3FB1] =	sst s8  }
0x11: {  	[smem:$0x3FB2] =	sst s9;
	s0 =	simm.s32 @!p0 $0x0  }
0x12: {  	s1 =	sld [smem:$0x3F98];
	s0 =	simm.s32 @p0 $0x1  }
0x13: {  	[smem:$0x3FB3] =	sst s0;
	s0 =	simm.s32 @!p1 $0x0  }
0x14: {  	s2 =	sld [smem:$0x3F97];
	s0 =	simm.s32 @p1 $0x1  }
0x15: {  	[smem:$0x3FB4] =	sst s0;
	s0 =	simm.s32 @!p2 $0x0  }
0x16: {  	s3 =	sld [smem:$0x3FDB];
	s0 =	simm.s32 @p2 $0x1  }
0x17: {  	s4 =	simm.s32 $0x1BF5;
	[smem:$0x3FB6] =	sst s0  }
0x18: {  	s0 =	sld [smem:$0x3F99];
	_ =	swait.ge [sflag:s4], $0x0  }
0x19: {  	s7 =	sld [smem:$0x3F9A]  }
0x1a: {  	s8 =	sadd.s32 $0xFFFFE003, lr  }
0x1b: {  	s9 =	sadd.s32 $0xFFFFFEF7, lr;
	s5 =	simm.s32 $0xFFFFFFFF;
	p2 =	slt.u32 s8, $0xFFFFF086  }
0x1c: {  	p1 =	slt.u32 s9, $0xF7A;
	s5 =	simm.s32 @!p2 $0x0  }
0x1d: {  	s5 =	simm.s32 @p1 $0x1;
	p0 =	seq.s32 s7, s2  }
0x1e: {  	s7 =	smul.u32 @!p0 $0xF7A, s2;
	p2 =	seq.s32 @!p0 s5, $0x0  }
0x1f: {  	s9 =	smul.u32 $0xF7A, s1;
	s8 =	simm.s32 @!p0 $0x1BF5;
	p2 =	por !p2, p0  }
0x20: {  	[sflag:s8] =	ssyncset.s32 @!p0 $0xFFFFF086;
	s6 =	sadd.s32 @!p0 s3, s7;
	s7 =	simm.s32 @!p0 $0x108  }
0x21: {  	s3 =	sadd.s32 s3, s9;
	s6 =	sadd.s32 @!p0 $0x88, s6;
	s7 =	simm.s32 @p2 $0x1082  }
0x22: {  	[simem:s7], [sflag:s8] =	dma.local @!p0 [hbm:s6], $0xF7A  }
0x23: {  	s9 =	sor.u32 $0xD0000000, s2;
	s6 =	simm.s32 $0x108;
	_ =	swait.ge @!p0 [sflag:s8], $0x0  }
0x24: {  	s3 =	sadd.s32 $0x88, s3;
	s6 =	simm.s32 @!p1 $0x1082;
	[sflag:s4] =	ssyncset.s32 $0xFFFFF086  }
0x25: {  	[simem:s6], [sflag:s4] =	dma.local [hbm:s3], $0xF7A  }
0x26: {  	[smem:$0x3F9A] =	sst s1;
	(tag) =	ssettag s2;
	_ =	strace s9  }
0x27: {  	s1 =	sld [smem:$0x3FAA]  }
0x28: {  	s2 =	sld [smem:$0x3FAB]  }
0x29: {  	s4 =	sld [smem:$0x3FAD]  }
0x2a: {  	p0 =	seq.s32 s5, $0x0;
	s5 =	sld [smem:$0x3FAE]  }
0x2b: {  	s6 =	sld [smem:$0x3FAF]  }
0x2c: {  	s7 =	sld [smem:$0x3FB0]  }
0x2d: {  	s3 =	simm.s32 $0x108;
	s8 =	sld [smem:$0x3FB1]  }
0x2e: {  	s3 =	simm.s32 @!p0 $0x1082;
	s9 =	sld [smem:$0x3FB2]  }
0x2f: {  	lr =	sadd.s32 s0, s3;
	s0 =	sld [smem:$0x3FA9]  }
0x30: {  	s3 =	sld [smem:$0x3FAC]  }
0x31: {  	[smem:$0x3FB5] =	sst s10  }
0x32: {  	s10 =	sld [smem:$0x3FB3];
	_ =	sdelay $0x3  }
0x33: {  	p0 =	seq.s32 s10, $0x1;
	s10 =	sld [smem:$0x3FB5];
	_ =	sdelay $0x3  }
0x34: {  	[smem:$0x3FB5] =	sst s10  }
0x35: {  	s10 =	sld [smem:$0x3FB4];
	_ =	sdelay $0x3  }
0x36: {  	p1 =	seq.s32 s10, $0x1;
	s10 =	sld [smem:$0x3FB5];
	_ =	sdelay $0x3  }
0x37: {  	[smem:$0x3FB5] =	sst s10  }
0x38: {  	s10 =	sld [smem:$0x3FB6]  }
0x39: {  	_ = 	snop;
	(pc) =	sbr.ind lr, $3  }
0x3a: {  	_ = 	snop  }
0x3b: {  	_ = 	snop  }
0x3c: {  	p2 =	seq.s32 s10, $0x1;
	s10 =	sld [smem:$0x3FB5]  }
0x3d: {  	_ =	shalt  }
0x3e: {  	_ =	shalt  }
0x3f: {  	_ =	shalt  }
0x40: {  	_ =	shalt  }
0x41: {  	_ =	shalt  }
0x42: {  	_ =	shalt  }
0x43: {  	_ =	shalt  }
0x44: {  	_ =	shalt  }
0x45: {  	_ =	shalt  }
0x46: {  	_ =	shalt  }
0x47: {  	_ =	shalt  }
0x48: {  	_ =	shalt  }
0x49: {  	_ =	shalt  }
0x4a: {  	_ =	shalt  }
0x4b: {  	_ =	shalt  }
0x4c: {  	_ =	shalt  }
0x4d: {  	_ =	shalt  }
0x4e: {  	_ =	shalt  }
0x4f: {  	_ =	shalt  }
0x50: {  	_ =	shalt  }
0x51: {  	_ =	shalt  }
0x52: {  	_ =	shalt  }
0x53: {  	_ =	shalt  }
0x54: {  	_ =	shalt  }
0x55: {  	_ =	shalt  }
0x56: {  	_ =	shalt  }
0x57: {  	_ =	shalt  }
0x58: {  	_ =	shalt  }
0x59: {  	_ =	shalt  }
0x5a: {  	_ =	shalt  }
0x5b: {  	_ =	shalt  }
0x5c: {  	_ =	shalt  }
0x5d: {  	_ =	shalt  }
0x5e: {  	_ =	shalt  }
0x5f: {  	_ =	shalt  }
0x60: {  	_ =	shalt  }
0x61: {  	_ =	shalt  }
0x62: {  	_ =	shalt  }
0x63: {  	_ =	shalt  }
0x64: {  	_ =	shalt  }
0x65: {  	_ =	shalt  }
0x66: {  	_ =	shalt  }
0x67: {  	_ =	shalt  }
0x68: {  	_ =	shalt  }
0x69: {  	_ =	shalt  }
0x6a: {  	_ =	shalt  }
0x6b: {  	_ =	shalt  }
0x6c: {  	_ =	shalt  }
0x6d: {  	_ =	shalt  }
0x6e: {  	_ =	shalt  }
0x6f: {  	_ =	shalt  }
0x70: {  	_ =	shalt  }
0x71: {  	_ =	shalt  }
0x72: {  	_ =	shalt  }
0x73: {  	_ =	shalt  }
0x74: {  	_ =	shalt  }
0x75: {  	_ =	shalt  }
0x76: {  	_ =	shalt  }
0x77: {  	_ =	shalt  }
0x78: {  	_ =	shalt  }
0x79: {  	_ =	shalt  }
0x7a: {  	_ =	shalt  }
0x7b: {  	_ =	shalt  }
0x7c: {  	_ =	shalt  }
0x7d: {  	_ =	shalt  }
0x7e: {  	_ =	shalt  }
0x7f: {  	_ =	shalt  }
0x80: {  	_ =	shalt  }
0x81: {  	_ =	shalt  }
0x82: {  	_ =	shalt  }
0x83: {  	_ =	shalt  }
0x84: {  	_ =	shalt  }
0x85: {  	_ =	shalt  }
0x86: {  	_ =	shalt  }
0x87: {  	_ =	shalt  }
.Lfunc_end0:
.L_simem_size_0:
called_computation_lowered:
.L_overlay_start_0:
0x88: {  	s2 =	sld [smem:$0x3FD9]  }
0x89: {  	s3 =	sld [smem:$0x3FFE];
	_ =	sdelay $0x1  }
0x8a: {  	s1 =	srdreg.scid  }
0x8b: {  	s0 =	sand.u32 $0x1, s1  }
0x8c: {  	s17 =	sshll.u32 s0, $0xA;
	s2 =	sadd.s32 s3, s2  }
0x8d: {  	s2 =	sadd.s32 s2, s17  }
0x8e: {  	[smem:$0x3FC1] =	sst s2  }
0x8f: {  	_ = 	snop  }
0x90: {  	s2 =	sld [smem:$0x3FD0];
	(tm) =	ssettm $0x1  }
0x91: {  	s18 =	sld [smem:$0x3FFB];
	_ =	sdelay $0x3  }
0x92: {  	_ =	strace s18  }
0x93: {  	s3 =	sld [smem:$0x3FFC];
	_ =	sdelay $0x3  }
0x94: {  	_ =	strace s3  }
0x95: {  	s3 =	sld [smem:$0x3FFD];
	_ =	sdelay $0x3  }
0x96: {  	_ =	strace s3  }
0x97: {  	_ =	strace $0x8FFFFFFF  }
0x98: {  	s19 =	sld [smem:$0x3FDB];
	_ =	sdelay $0x1  }
0x99: {  	s4 =	simm.s32 $_scs_section_size  }
0x9a: {  	s5 =	simm.s32 $_size__tile_overlayer_lowered;
	s6 =	simm.s32 $_tile_overlayer_lowered  }
0x9b: {  	s22 =	simm.s32 $0x1BFF;
	s21 =	sshll.u32 s6, $0x1;
	s3 =	sadd.s32 s4, s19  }
0x9c: {  	s7 =	simm.s32 $0x0;
	s20 =	sshll.u32 s5, $0x1;
	s5 =	sadd.s32 s21, s3  }
0x9d: {  	[timem:s7], [sflag:s22] =	dma.local [hbm:s5], s20  }
0x9e: {  	_ =	swait.ge [sflag:s22], s20  }
0x9f: {  	s4 =	ssub.s32 $0x0, s20;
	[sflag:s22] =	ssyncset.done $0x0  }
0xa0: {  	[sflag:s22] =	ssyncadd.s32 s4;
	_ =	sdelay $0x1  }
0xa1: {  	s23 =	simm.s32 $0x1B8B  }
0xa2: {  	_ =	swait.ge [sflag:s23], $0x1  }
0xa3: {  	[sflag:s23] =	ssyncset.done $0x0  }
0xa4: {  	s25 =	simm.s32 $0x1B8E;
	s24 =	sld [smem:$0x3FFE];
	[sflag:s23] =	ssyncadd.s32 $0xFFFFFFFF  }
0xa5: {  	s26 =	simm.s32 $execute0_lowered;
	[smem:$0x3FD2] =	sst s25  }
0xa6: {  	s5 =	sshll.u32 s26, $0x1;
	_ =	strace $0x80000046;
	[dreg:$0x1] =	wrdreg $0xFFFFFFFF  }
0xa7: {  	s28 =	simm.s32 $_size_execute0_lowered;
	s3 =	sadd.s32 s3, s5;
	[dreg:$0x0] =	wrdreg $0x0  }
0xa8: {  	s5 =	sshll.u32 s28, $0x1;
	[dreg:$0x2] =	wrdreg s3  }
0xa9: {  	[dreg:$0x3] =	wrdreg s5  }
0xaa: {  	[dreg:$0x4] =	wrdreg $0xC0  }
0xab: {  	_ =	task [dreg:s7], $0x5FFFF  }
0xac: {  	[dreg:$0x1] =	wrdreg $0xFFFFFFFF  }
0xad: {  	[dreg:$0x0] =	wrdreg $0x60  }
0xae: {  	[dreg:$0x2] =	wrdreg s24  }
0xaf: {  	[dreg:$0x3] =	wrdreg s2  }
0xb0: {  	[dreg:$0x4] =	wrdreg $0xC8800  }
0xb1: {  	[dreg:$0x5] =	wrdreg $0x1BCA80  }
0xb2: {  	[dreg:$0x6] =	wrdreg $0x9  }
0xb3: {  	_ =	task.clear_ibuf [dreg:s7], $0x7FFFF;
	_ =	strace $0x90000046  }
0xb4: {  	s29 =	simm.s32 $0x9;
	_ =	strace $0x80000048  }
0xb5: {  	_ =	swait.ge [sflag:s29], $0x1  }
0xb6: {  	[sflag:s29] =	ssyncadd.s32 $0xFFFFFFFF  }
0xb7: {  	_ =	strace $0x90000048  }
0xb8: {  	_ =	sfence  }
0xb9: {  	s30 =	sld [smem:$0x0];
	_ =	sdelay $0x2  }
0xba: {  	s31 =	sshll.u32 s1, $0xD;
	s1 =	sshrl.u32 s1, $0x2  }
0xbb: {  	s3 =	sand.u32 $0x4000, s31;
	s1 =	sadd.s32 s1, s30  }
0xbc: {  	s0 =	sor.u32 s3, s0;
	s1 =	sshll.u32 s1, $0x11  }
0xbd: {  	s0 =	sor.u32 s1, s0  }
0xbe: {  	s0 =	sadd.s32 $0x8F2B, s0  }
0xbf: {  	[sflag:s0] =	ssyncadd.remote.s32 $0x1  }
0xc0: {  	_ =	sfence.sel $0xFFFF  }
0xc1: {  	[dreg:$0x0] =	wrdreg $0xFFFFFFFF;
	(pc) =	sbr.abs _section_cstart, $3  }
0xc2: {  	[dreg:$0x1] =	wrdreg $0xFFFFFFFF  }
0xc3: {  	_ =	task.clear_ibuf [dreg:s7], $0x2FFFF;
	_ =	strace $0x9FFFFFFF  }
0xc4: {  	(tm) =	ssettm $0x7FFFFFFF  }
0xc5: {  	_ =	shalt  }
tec
execute0_lowered:
.L_overlay_start_1:
0x0: {  	(tag) =	ssettag $0x1  }
0x1: {  	s0 =	rddreg [dreg:$0x0]  }
0x2: {  	s3 =	rddreg [dreg:$0x1]  }
0x3: {  	s4 =	srdreg.scid;
	s1 =	rddreg [dreg:$0x2]  }
0x4: {  	s2 =	simm.s32 $0x0;
	s25 =	stileid.u32;
	s28 =	simm.s32 $0x2  }
0x5: {  	s29 =	simm.s32 $0x80;
	s30 =	simm.s32 $0x100;
	s31 =	simm.s32 $0x3200  }
0x6: {  	s4 =	sand.u32 $0x1, s4;
	[smem:$0x7FF] =	sst s2;
	s9 =	sadd.s32 $0x33200, s0  }
0x7: {  	s10 =	smul.u32 $0x2710, s25;
	s14 =	sadd.s32 $0x1000, s0;
	s15 =	sadd.s32 $0x1A000, s0  }
0x8: {  	s20 =	sshll.u32 s25, $0x1;
	s17 =	sadd.s32 $0x33000, s0;
	p0 =	sgt.u32 s25, $0x3  }
0x9: {  	s0 =	simm.s32 $0x1;
	s5 =	ssub.s32 $0x2, s4;
	s4 =	sor.u32 s4, s20  }
0xa: {  	p1 =	sne.s32 @p0 s25, $0xF;
	s6 =	sshrl.u32 s5, $0x1;
	s7 =	sshrl.u32 s10, $0x3  }
0xb: {  	s19 =	sadd.s32 $0x27100, s10;
	s20 =	sadd.s32 $0x4E200, s10;
	s13 =	smul.u32 $0xC80, s4  }
0xc: {  	s4 =	sshll.u32 s4, $0x4;
	s18 =	sadd.s32 s10, s1;
	p1 =	por p1, !p0  }
0xd: {  	s5 =	ssub.s32 s5, s6;
	s21 =	sadd.s32 s9, s7;
	s22 =	sshrl.u32 s19, $0x3  }
0xe: {  	s23 =	sshrl.u32 s20, $0x3;
	s19 =	sadd.s32 s19, s1;
	s20 =	sadd.s32 s20, s1  }
0xf: {  	[dreg:$0x5] =	wrdreg s21;
	s6 =	sadd.s32 s9, s22;
	s21 =	sadd.s32 $0x75300, s10  }
0x10: {  	s22 =	sadd.s32 $0x9C400, s10;
	s12 =	sadd.s32 s15, s13;
	s16 =	sor.u32 $0x10, s13  }
0x11: {  	s25 =	smax.u32 s5, $0x1;
	[dreg:$0x6] =	wrdreg s6;
	s24 =	sshrl.u32 s21, $0x3  }
0x12: {  	s6 =	sadd.s32 s9, s23;
	s26 =	sshrl.u32 s22, $0x3;
	s23 =	sadd.s32 $0xC3500, s10  }
0x13: {  	s15 =	sadd.s32 s15, s16;
	s21 =	sadd.s32 s21, s1;
	s22 =	sadd.s32 s22, s1  }
0x14: {  	[dreg:$0x7] =	wrdreg s6;
	s6 =	sadd.s32 s9, s24;
	s24 =	sadd.s32 $0xEA600, s10  }
0x15: {  	s7 =	sadd.s32 s9, s26;
	s8 =	sshrl.u32 s23, $0x3;
	s23 =	sadd.s32 s23, s1  }
0x16: {  	s26 =	simm.s32 $0x6400;
	s10 =	simm.s32 $0x9600;
	s11 =	sshrl.u32 s24, $0x3  }
0x17: {  	s8 =	sadd.s32 s9, s8;
	s24 =	sadd.s32 s24, s1;
	s9 =	sadd.s32 s9, s11  }
0x18: {  	s11 =	sadd.s32 s14, s13;
	s13 =	rddreg [dreg:$0x3];
	s14 =	sadd.s32 s14, s16  }
0x19: {  	s16 =	sadd.s32 s3, s4;
	_ =	strace $0x80000047;
	s3 =	simm.s32 $0x0  }
.LBB2_1:
0x1a: {  	s4 =	rddreg [dreg:$0x5]  }
0x1b: {  	[tilespmem:s26], [sflag:$0x2] =	stream.linear.gather [hbm4b:s4+s2], $0x2710, $0x38;
	[tilespmem:$0x1BCE8] =	vst v63  }
0x1c: {  	_ =	swait.ge [sflag:s28], $0x2710  }
0x1d: {  	[sflag:s28] =	ssyncset.done $0x0  }
0x1e: {  	[sflag:s28] =	ssyncadd.s32 $0xFFFFD8F0  }
0x1f: {  	[spmem:s18] =	stream.linear.scatter [tilespmem:s26], [sflag:$0x2], $0x2710, $0x38;
	[tilespmem:$0x1BCE8] =	vst v63  }
0x20: {  	_ =	swait.ge [sflag:s28], $0x2710  }
0x21: {  	[sflag:s28] =	ssyncset.done $0x0  }
0x22: {  	s5 =	rddreg [dreg:$0x6];
	[sflag:s28] =	ssyncadd.s32 $0xFFFFD8F0  }
0x23: {  	[tilespmem:s26], [sflag:$0x2] =	stream.linear.gather [hbm4b:s5+s2], $0x2710, $0x38;
	[tilespmem:$0x1BCE8] =	vst v63  }
0x24: {  	_ =	swait.ge [sflag:s28], $0x2710  }
0x25: {  	[sflag:s28] =	ssyncset.done $0x0  }
0x26: {  	[sflag:s28] =	ssyncadd.s32 $0xFFFFD8F0  }
0x27: {  	[spmem:s19] =	stream.linear.scatter [tilespmem:s26], [sflag:$0x2], $0x2710, $0x38;
	[tilespmem:$0x1BCE8] =	vst v63  }
0x28: {  	_ =	swait.ge [sflag:s28], $0x2710  }
0x29: {  	[sflag:s28] =	ssyncset.done $0x0  }
0x2a: {  	s5 =	rddreg [dreg:$0x7];
	[sflag:s28] =	ssyncadd.s32 $0xFFFFD8F0  }
0x2b: {  	[tilespmem:s26], [sflag:$0x2] =	stream.linear.gather [hbm4b:s5+s2], $0x2710, $0x38;
	[tilespmem:$0x1BCE8] =	vst v63  }
0x2c: {  	_ =	swait.ge [sflag:s28], $0x2710  }
0x2d: {  	[sflag:s28] =	ssyncset.done $0x0  }
0x2e: {  	[sflag:s28] =	ssyncadd.s32 $0xFFFFD8F0  }
0x2f: {  	[spmem:s20] =	stream.linear.scatter [tilespmem:s26], [sflag:$0x2], $0x2710, $0x38;
	[tilespmem:$0x1BCE8] =	vst v63  }
0x30: {  	_ =	swait.ge [sflag:s28], $0x2710  }
0x31: {  	[sflag:s28] =	ssyncset.done $0x0  }
0x32: {  	[sflag:s28] =	ssyncadd.s32 $0xFFFFD8F0  }
0x33: {  	[tilespmem:s26], [sflag:$0x2] =	stream.linear.gather [hbm4b:s6+s2], $0x2710, $0x38;
	[tilespmem:$0x1BCE8] =	vst v63  }
0x34: {  	_ =	swait.ge [sflag:s28], $0x2710  }
0x35: {  	[sflag:s28] =	ssyncset.done $0x0  }
0x36: {  	[sflag:s28] =	ssyncadd.s32 $0xFFFFD8F0  }
0x37: {  	[spmem:s21] =	stream.linear.scatter [tilespmem:s26], [sflag:$0x2], $0x2710, $0x38;
	[tilespmem:$0x1BCE8] =	vst v63  }
0x38: {  	_ =	swait.ge [sflag:s28], $0x2710  }
0x39: {  	[sflag:s28] =	ssyncset.done $0x0  }
0x3a: {  	[sflag:s28] =	ssyncadd.s32 $0xFFFFD8F0  }
0x3b: {  	[tilespmem:s26], [sflag:$0x2] =	stream.linear.gather [hbm4b:s7+s2], $0x2710, $0x38;
	[tilespmem:$0x1BCE8] =	vst v63  }
0x3c: {  	_ =	swait.ge [sflag:s28], $0x2710  }
0x3d: {  	[sflag:s28] =	ssyncset.done $0x0  }
0x3e: {  	[sflag:s28] =	ssyncadd.s32 $0xFFFFD8F0  }
0x3f: {  	[spmem:s22] =	stream.linear.scatter [tilespmem:s26], [sflag:$0x2], $0x2710, $0x38;
	[tilespmem:$0x1BCE8] =	vst v63  }
0x40: {  	_ =	swait.ge [sflag:s28], $0x2710  }
0x41: {  	[sflag:s28] =	ssyncset.done $0x0  }
0x42: {  	[sflag:s28] =	ssyncadd.s32 $0xFFFFD8F0  }
0x43: {  	[tilespmem:s26], [sflag:$0x2] =	stream.linear.gather [hbm4b:s8+s2], $0x2710, $0x38;
	[tilespmem:$0x1BCE8] =	vst v63  }
0x44: {  	_ =	swait.ge [sflag:s28], $0x2710  }
0x45: {  	[sflag:s28] =	ssyncset.done $0x0  }
0x46: {  	[sflag:s28] =	ssyncadd.s32 $0xFFFFD8F0  }
0x47: {  	[spmem:s23] =	stream.linear.scatter [tilespmem:s26], [sflag:$0x2], $0x2710, $0x38;
	[tilespmem:$0x1BCE8] =	vst v63  }
0x48: {  	_ =	swait.ge [sflag:s28], $0x2710  }
0x49: {  	[sflag:s28] =	ssyncset.done $0x0  }
0x4a: {  	s4 =	simm.s32 @!p1 $0x0;
	s5 =	simm.s32 @!p1 $0x9600;
	[sflag:s28] =	ssyncadd.s32 $0xFFFFD8F0  }
0x4b: {  	[tilespmem:s5], [sflag:$0x2] =	stream.linear.gather @!p1 [hbm4b:s17+s4], $0x3E8, $0x38;
	[tilespmem:$0x1BCE8] =	vst v63  }
0x4c: {  	s4 =	simm.s32 @!p1 $0x2  }
0x4d: {  	_ =	swait.ge @!p1 [sflag:s4], $0x3E8  }
0x4e: {  	[sflag:s4] =	ssyncset.done @!p1 $0x0  }
0x4f: {  	[sflag:s4] =	ssyncadd.s32 @!p1 $0xFFFFFC18  }
0x50: {  	[spmem:s13] =	stream.linear.scatter @!p1 [tilespmem:s5], [sflag:$0x2], $0x3E8, $0x38;
	[tilespmem:$0x1BCE8] =	vst v63  }
0x51: {  	_ =	swait.ge @!p1 [sflag:s4], $0x3E8  }
0x52: {  	[sflag:s4] =	ssyncset.done @!p1 $0x0  }
0x53: {  	s5 =	simm.s32 @!p0 $0x6400;
	[sflag:s4] =	ssyncadd.s32 @!p1 $0xFFFFFC18;
	s4 =	simm.s32 @!p0 $0x0  }
0x54: {  	[tilespmem:s5], [sflag:$0x2] =	stream.linear.gather @!p0 [hbm4b:s9+s4], $0x2710, $0x38;
	[tilespmem:$0x1BCE8] =	vst v63  }
0x55: {  	s4 =	simm.s32 @!p0 $0x2  }
0x56: {  	_ =	swait.ge @!p0 [sflag:s4], $0x2710  }
0x57: {  	[sflag:s4] =	ssyncset.done @!p0 $0x0  }
0x58: {  	[sflag:s4] =	ssyncadd.s32 @!p0 $0xFFFFD8F0  }
0x59: {  	[spmem:s24] =	stream.linear.scatter @!p0 [tilespmem:s5], [sflag:$0x2], $0x2710, $0x38;
	[tilespmem:$0x1BCE8] =	vst v63  }
0x5a: {  	_ =	swait.ge @!p0 [sflag:s4], $0x2710  }
0x5b: {  	[sflag:s4] =	ssyncset.done @!p0 $0x0  }
0x5c: {  	[sflag:s4] =	ssyncadd.s32 @!p0 $0xFFFFD8F0  }
0x5d: {  	[bflag:$0x0] =	sbarrier.arrive $0xFFFF  }
0x5e: {  	[tilespmem:s2], [sflag:$0x2] =	stream.strided.gather [hbm4b:s11+s29], $0x3200, s30, s29, $0x38;
	[tilespmem:$0x1BCE8] =	vst v63  }
0x5f: {  	_ =	swait.ge [sflag:s28], $0x3200  }
0x60: {  	[sflag:s28] =	ssyncset.done $0x0  }
0x61: {  	[sflag:s28] =	ssyncadd.s32 $0xFFFFCE00  }
0x62: {  	[tilespmem:s31], [sflag:$0x2] =	stream.strided.gather [hbm4b:s12+s29], $0x3200, s30, s29, $0x38;
	[tilespmem:$0x1BCE8] =	vst v63  }
0x63: {  	_ =	swait.ge [sflag:s28], $0x3200  }
0x64: {  	[sflag:s28] =	ssyncset.done $0x0  }
0x65: {  	[sflag:s28] =	ssyncadd.s32 $0xFFFFCE00  }
0x66: {  	[tilespmem:s26], [sflag:$0x1] =	stream.indirect.gather [spmem:s1], $0x1, s2, s31, $0xb8;
	[tilespmem:$0x1BCE8] =	vst v63  }
0x67: {  	_ = 	snop  }
0x68: {  	[tilespmem:s10], [sflag:$0x1] =	stream.indirect.gather [spmem:s13], $0x1, s31, s31, $0xb8;
	[tilespmem:$0x1BCE8] =	vst v63  }
0x69: {  	_ =	swait.ge [sflag:s0], $0x3200  }
0x6a: {  	[sflag:s0] =	ssyncset.done $0x0  }
0x6b: {  	[sflag:s0] =	ssyncadd.s32 $0xFFFFCE00  }
0x6c: {  	_ =	swait.ge [sflag:s0], $0x3200  }
0x6d: {  	[sflag:s0] =	ssyncset.done $0x0  }
0x6e: {  	s4 =	simm.s32 $0x0;
	[sflag:s0] =	ssyncadd.s32 $0xFFFFCE00  }
0x6f: {  	v2 =	vld [tilespmem:s4+$0x9600]  }
0x70: {  	v4 =	vld [tilespmem:s4+$0x9610]  }
0x71: {  	v3 =	vld [tilespmem:s4+$0x9620]  }
0x72: {  	v5 =	vld [tilespmem:s4+$0x9630]  }
0x73: {  	v0 =	vld [tilespmem:s4+$0x9640]  }
0x74: {  	v1 =	vld [tilespmem:s4+$0x9650]  }
0x75: {  	v23 =	vld [tilespmem:s4+$0x6400]  }
0x76: {  	v25 =	vld [tilespmem:s4+$0x6410]  }
0x77: {  	v22 =	vld [tilespmem:s4+$0x6420]  }
0x78: {  	v24 =	vld [tilespmem:s4+$0x6430]  }
0x79: {  	v8 =	vimm.f32 $0.0e+00;
	v14 =	vimm.f32 $0.0e+00;
	v19 =	vld [tilespmem:s4+$0x6440]  }
0x7a: {  	v17 =	vimm.f32 $0.0e+00;
	v18 =	vimm.f32 $0.0e+00;
	v7 =	vimm.f32 $0.0e+00;
	v20 =	vld [tilespmem:s4+$0x6450]  }
0x7b: {  	v11 =	vimm.f32 $0.0e+00;
	v9 =	vimm.f32 $0.0e+00;
	v10 =	vimm.f32 $0.0e+00;
	s5 =	simm.s32 $0x200;
	v21 =	vld [tilespmem:s4+$0x6460]  }
.LBB2_2:
0x7c: {  	p2 =	sne.s32 s5, $0xC600;
	v6 =	vadd.f32 v23, v8;
	v12 =	vadd.f32 v25, v14;
	v13 =	vld [tilespmem:s4+$0x6470]  }
0x7d: {  	v15 =	vadd.f32 v22, v17;
	v16 =	vadd.f32 v24, v18;
	v22 =	vld [tilespmem:s4+$0x9660]  }
0x7e: {  	v8 =	vadd.f32 v2, v6;
	v14 =	vadd.f32 v4, v12;
	v6 =	vld [tilespmem:s4+$0x9670];
	s4 =	sshra.s32 s5, $0x2  }
0x7f: {  	v17 =	vadd.f32 v3, v15;
	v2 =	vld [tilespmem:s4+$0x9600];
	v18 =	vadd.f32 v5, v16  }
0x80: {  	v7 =	vadd.f32 v19, v7;
	v11 =	vadd.f32 v20, v11;
	v4 =	vld [tilespmem:s4+$0x9610]  }
0x81: {  	v9 =	vadd.f32 v21, v9;
	v3 =	vld [tilespmem:s4+$0x9620];
	v10 =	vadd.f32 v13, v10  }
0x82: {  	v7 =	vadd.f32 v0, v7;
	v11 =	vadd.f32 v1, v11;
	v5 =	vld [tilespmem:s4+$0x9630]  }
0x83: {  	v9 =	vadd.f32 v22, v9;
	v0 =	vld [tilespmem:s4+$0x9640];
	v10 =	vadd.f32 v6, v10  }
0x84: {  	v1 =	vld [tilespmem:s4+$0x9650]  }
0x85: {  	v23 =	vld [tilespmem:s4+$0x6400]  }
0x86: {  	v25 =	vld [tilespmem:s4+$0x6410]  }
.Ltmp0:
0x87: {  	v22 =	vld [tilespmem:s4+$0x6420];
	(pc) =	sbr.rel @p2 .LBB2_2-.Ltmp0, $4  }
0x88: {  	v24 =	vld [tilespmem:s4+$0x6430]  }
0x89: {  	v19 =	vld [tilespmem:s4+$0x6440]  }
0x8a: {  	v20 =	vld [tilespmem:s4+$0x6450]  }
0x8b: {  	s5 =	sadd.s32 $0x200, s5;
	v21 =	vld [tilespmem:s4+$0x6460]  }
0x8c: {  	v26 =	vld [tilespmem:s4+$0x6470]  }
0x8d: {  	v27 =	vld [tilespmem:s4+$0x9660];
	s5 =	simm.s32 $0x0  }
0x8e: {  	v28 =	vld [tilespmem:s4+$0x9670];
	[tilespmem:s5], [sflag:$0x2] =	stream.strided.gather [hbm4b:s14+s29], $0x3200, s30, s29, $0x38  }
0x8f: {  	_ =	swait.ge [sflag:s28], $0x3200  }
0x90: {  	[sflag:s28] =	ssyncset.done $0x0  }
0x91: {  	[sflag:s28] =	ssyncadd.s32 $0xFFFFCE00  }
0x92: {  	[tilespmem:s31], [sflag:$0x2] =	stream.strided.gather [hbm4b:s15+s29], $0x3200, s30, s29, $0x38;
	[tilespmem:$0x1BCE8] =	vst v63  }
0x93: {  	_ =	swait.ge [sflag:s28], $0x3200  }
0x94: {  	[sflag:s28] =	ssyncset.done $0x0  }
0x95: {  	[sflag:s28] =	ssyncadd.s32 $0xFFFFCE00  }
0x96: {  	[tilespmem:s26], [sflag:$0x1] =	stream.indirect.gather [spmem:s1], $0x1, s5, s31, $0xb8;
	[tilespmem:$0x1BCE8] =	vst v63  }
0x97: {  	_ = 	snop  }
0x98: {  	[tilespmem:s10], [sflag:$0x1] =	stream.indirect.gather [spmem:s13], $0x1, s31, s31, $0xb8;
	[tilespmem:$0x1BCE8] =	vst v63  }
0x99: {  	_ =	swait.ge [sflag:s0], $0x3200  }
0x9a: {  	[sflag:s0] =	ssyncset.done $0x0  }
0x9b: {  	[sflag:s0] =	ssyncadd.s32 $0xFFFFCE00  }
0x9c: {  	_ =	swait.ge [sflag:s0], $0x3200  }
0x9d: {  	[sflag:s0] =	ssyncset.done $0x0  }
0x9e: {  	s4 =	simm.s32 $0x0;
	[sflag:s0] =	ssyncadd.s32 $0xFFFFCE00  }
0x9f: {  	v12 =	vld [tilespmem:s4+$0x9600]  }
0xa0: {  	v16 =	vld [tilespmem:s4+$0x9610]  }
0xa1: {  	v13 =	vld [tilespmem:s4+$0x9620]  }
0xa2: {  	v15 =	vld [tilespmem:s4+$0x9630]  }
0xa3: {  	v6 =	vld [tilespmem:s4+$0x9640]  }
0xa4: {  	v23 =	vadd.f32 v23, v8;
	v14 =	vadd.f32 v25, v14;
	v8 =	vld [tilespmem:s4+$0x9650]  }
0xa5: {  	v22 =	vadd.f32 v22, v17;
	v24 =	vadd.f32 v24, v18;
	v17 =	vld [tilespmem:s4+$0x6400]  }
0xa6: {  	v2 =	vadd.f32 v2, v23;
	v4 =	vadd.f32 v4, v14;
	v18 =	vld [tilespmem:s4+$0x6410]  }
0xa7: {  	v14 =	vadd.f32 v3, v22;
	v3 =	vadd.f32 v5, v24;
	v22 =	vld [tilespmem:s4+$0x6420]  }
0xa8: {  	v5 =	vadd.f32 v19, v7;
	v11 =	vadd.f32 v20, v11;
	v19 =	vld [tilespmem:s4+$0x6430]  }
0xa9: {  	v20 =	vadd.f32 v21, v9;
	v21 =	vadd.f32 v26, v10;
	v9 =	vld [tilespmem:s4+$0x6440]  }
0xaa: {  	v7 =	vadd.f32 v0, v5;
	v1 =	vadd.f32 v1, v11;
	v10 =	vld [tilespmem:s4+$0x6450]  }
0xab: {  	v5 =	vadd.f32 v27, v20;
	v0 =	vadd.f32 v28, v21;
	s5 =	simm.s32 $0x200;
	v11 =	vld [tilespmem:s4+$0x6460]  }
.LBB2_4:
0xac: {  	p2 =	sne.s32 s5, $0xC600;
	v2 =	vadd.f32 v17, v2;
	v4 =	vadd.f32 v18, v4;
	v17 =	vld [tilespmem:s4+$0x6470]  }
0xad: {  	v14 =	vadd.f32 v22, v14;
	v3 =	vadd.f32 v19, v3;
	v18 =	vld [tilespmem:s4+$0x9660]  }
0xae: {  	v2 =	vadd.f32 v12, v2;
	v4 =	vadd.f32 v16, v4;
	v19 =	vld [tilespmem:s4+$0x9670];
	s4 =	sshra.s32 s5, $0x2  }
0xaf: {  	v14 =	vadd.f32 v13, v14;
	v12 =	vld [tilespmem:s4+$0x9600];
	v3 =	vadd.f32 v15, v3  }
0xb0: {  	v7 =	vadd.f32 v9, v7;
	v1 =	vadd.f32 v10, v1;
	v16 =	vld [tilespmem:s4+$0x9610]  }
0xb1: {  	v5 =	vadd.f32 v11, v5;
	v13 =	vld [tilespmem:s4+$0x9620];
	v0 =	vadd.f32 v17, v0  }
0xb2: {  	v7 =	vadd.f32 v6, v7;
	v1 =	vadd.f32 v8, v1;
	v15 =	vld [tilespmem:s4+$0x9630]  }
0xb3: {  	v5 =	vadd.f32 v18, v5;
	v6 =	vld [tilespmem:s4+$0x9640];
	v0 =	vadd.f32 v19, v0  }
0xb4: {  	v8 =	vld [tilespmem:s4+$0x9650]  }
0xb5: {  	v17 =	vld [tilespmem:s4+$0x6400]  }
0xb6: {  	v18 =	vld [tilespmem:s4+$0x6410]  }
.Ltmp1:
0xb7: {  	v22 =	vld [tilespmem:s4+$0x6420];
	(pc) =	sbr.rel @p2 .LBB2_4-.Ltmp1, $4  }
0xb8: {  	v19 =	vld [tilespmem:s4+$0x6430]  }
0xb9: {  	v9 =	vld [tilespmem:s4+$0x6440]  }
0xba: {  	v10 =	vld [tilespmem:s4+$0x6450]  }
0xbb: {  	s5 =	sadd.s32 $0x200, s5;
	v11 =	vld [tilespmem:s4+$0x6460]  }
0xbc: {  	v2 =	vadd.f32 v17, v2  }
0xbd: {  	v4 =	vadd.f32 v18, v4  }
0xbe: {  	v57 =	vld [tilespmem:s4+$0x6470];
	v14 =	vadd.f32 v22, v14;
	v2 =	vadd.f32 v12, v2  }
0xbf: {  	v58 =	vld [tilespmem:s4+$0x9660];
	v3 =	vadd.f32 v19, v3;
	v4 =	vadd.f32 v16, v4  }
0xc0: {  	v59 =	vld [tilespmem:s4+$0x9670];
	v13 =	vadd.f32 v13, v14;
	v7 =	vadd.f32 v9, v7;
	[tilespmem:$0xC800] =	vst v2  }
0xc1: {  	v60 =	vadd.f32 v15, v3;
	v1 =	vadd.f32 v10, v1;
	[tilespmem:$0xC810] =	vst v4  }
0xc2: {  	v61 =	vadd.f32 v11, v5;
	v62 =	vadd.f32 v6, v7;
	[tilespmem:$0xC820] =	vst v13  }
0xc3: {  	v0 =	vadd.f32 v57, v0;
	v1 =	vadd.f32 v8, v1;
	[tilespmem:$0xC830] =	vst v60  }
0xc4: {  	v63 =	vadd.f32 v58, v61;
	[tilespmem:$0xC840] =	vst v62  }
0xc5: {  	s3 =	sadd.s32 $0x1, s3;
	v0 =	vadd.f32 v59, v0;
	[tilespmem:$0xC850] =	vst v1  }
0xc6: {  	p2 =	sne.s32 s3, s25;
	[tilespmem:$0xC860] =	vst v63  }
.Ltmp2:
0xc7: {  	s5 =	simm.s32 $0xC800;
	[tilespmem:$0xC870] =	vst v0;
	(pc) =	sbr.rel @p2 .LBB2_1-.Ltmp2, $4  }
0xc8: {  	[hbm4b:s16+s2] =	stream.linear.scatter [tilespmem:s5], [sflag:$0x2], $0x80, $0x38;
	[tilespmem:$0x1BCE8] =	vst v63  }
0xc9: {  	_ =	swait.ge [sflag:s28], $0x80  }
0xca: {  	[sflag:s28] =	ssyncset.done $0x0  }
0xcb: {  	[sflag:s28] =	ssyncadd.s32 $0xFFFFFF80  }
0xcc: {  	_ =	sfence.sel $0x180000  }
0xcd: {  	[bflag:$0x0] =	sbarrier.arrive $0xFFFF  }
0xce: {  	_ =	strace $0x90000047  }
0xcf: {  	s0 =	stileid.u32;
	[bflag:$0x2] =	sbarrier.arrive $0xFFFF  }
0xd0: {  	p0 =	sne.s32 s0, $0x0;
	s0 =	rddreg [dreg:$0x4]  }
0xd1: {  	s0 =	sadd.s32 @!p0 $0x100000, s0  }
0xd2: {  	[sflag:s0] =	ssyncadd.tile.s32 @!p0 $0x1;
	_ =	shalt  }
.Lfunc_end2:
_tile_overlayer_lowered:
.L_overlay_start_2:
0xd3: {  	(tag) =	ssettag $0x2  }
0xd4: {  	s0 =	rddreg [dreg:$0x0];
	s2 =	stileid.u32  }
0xd5: {  	s1 =	rddreg [dreg:$0x1];
	p0 =	sne.s32 s2, $0x0  }
0xd6: {  	s3 =	rddreg [dreg:$0x2];
	[bflag:$0x3] =	sbarrier.arrive $0xFFFF;
	s2 =	simm.s32 @!p0 $0x1C02  }
0xd7: {  	[timem:s3], [sflag:s2] =	dma.local @!p0 [hbm:s0], s1  }
0xd8: {  	s0 =	simm.s32 @!p0 $0x2  }
0xd9: {  	_ =	swait.ge @!p0 [sflag:s0], s1  }
0xda: {  	s1 =	ssub.s32 @!p0 $0x0, s1;
	[sflag:s0] =	ssyncset.done @!p0 $0x0  }
0xdb: {  	[sflag:s0] =	ssyncadd.s32 @!p0 s1  }
0xdc: {  	[bflag:$0x3] =	sbarrier.arrive $0xFFFF  }
0xdd: {  	_ =	shalt  }

</sc_bundles>
